<compile_context>
chip_gen: v7x
topology: tpu7x:2x2x1
jax: 0.10.2.dev20260603
libtpu: 0.0.44.dev20260713+nightly
codegen_flags: <defaults>
</compile_context>

<pallas_src>
import functools

import jax
import jax.numpy as jnp
from jax import lax
from jax.experimental import pallas as pl
from jax.experimental.pallas import tpu as pltpu
from jax.experimental.pallas import tpu_sc as plsc

N = 10000
D = 128
LANES = 16
CHUNK = 128
NC, NS = 2, 16
NW = NC * NS
N_PAD = 10240
ROWS_PER_TILE = N_PAD // NS


def _sc_aggregate(h, src3, dst3, ew3, n_chunks):
    mesh = plsc.VectorSubcoreMesh(core_axis_name="c", subcore_axis_name="s")

    half = n_chunks // 2

    @functools.partial(
        pl.kernel,
        out_type=jax.ShapeDtypeStruct((NC * N_PAD, D), jnp.float32),
        mesh=mesh,
        scratch_types=[
            pltpu.VMEM((half, CHUNK), jnp.int32),
            pltpu.VMEM((half, CHUNK), jnp.int32),
            pltpu.VMEM((half, CHUNK), jnp.float32),
            pltpu.VMEM((CHUNK, D), jnp.float32),
            pltpu.VMEM((CHUNK, D), jnp.float32),
            pltpu.VMEM_SHARED((N_PAD, D), jnp.float32),
            pltpu.SemaphoreType.DMA,
            pltpu.SemaphoreType.DMA,
        ],
    )
    def k(h_hbm, src_hbm, dst_hbm, ew_hbm, out_hbm,
          src_v, dst_v, w_v, rows0, rows1, acc_sh, sem0, sem1):
        c = lax.axis_index("c")
        s = lax.axis_index("s")
        tile = c * NS + s
        bufs = ((rows0, sem0), (rows1, sem1))

        def zrow(i, carry):
            for j in range(D // LANES):
                rows0[i, pl.ds(j * LANES, LANES)] = jnp.zeros(
                    (LANES,), jnp.float32)
            return carry
        lax.fori_loop(0, CHUNK, zrow, 0)
        row0 = s * ROWS_PER_TILE
        for kk in range(ROWS_PER_TILE // CHUNK):
            pltpu.sync_copy(rows0, acc_sh.at[pl.ds(row0 + kk * CHUNK, CHUNK)])
        plsc.subcore_barrier()

        for hf in range(2):
            pltpu.sync_copy(src_hbm.at[tile, pl.ds(hf * half, half)], src_v)
            pltpu.sync_copy(dst_hbm.at[tile, pl.ds(hf * half, half)], dst_v)
            pltpu.sync_copy(ew_hbm.at[tile, pl.ds(hf * half, half)], w_v)
            pltpu.async_copy(h_hbm.at[src_v.at[0]], rows0, sem0)

            def outer(g2, carry):
                for b in range(2):
                    rows_b, sem_b = bufs[b]
                    rows_n, sem_n = bufs[1 - b]
                    g = g2 * 2 + b

                    @pl.when(g + 1 < half)
                    def _():
                        pltpu.async_copy(h_hbm.at[src_v.at[g + 1]],
                                         rows_n, sem_n)

                    pltpu.make_async_copy(h_hbm.at[src_v.at[g]], rows_b,
                                          sem_b).wait()

                    def scale(grp, carry2):
                        w16 = w_v[g, pl.ds(grp * LANES, LANES)]
                        for e16 in range(LANES):
                            wsp = jnp.broadcast_to(w16[e16], (LANES,))
                            e = grp * LANES + e16
                            for j in range(D // LANES):
                                sl = pl.ds(j * LANES, LANES)
                                rows_b[e, sl] = rows_b[e, sl] * wsp
                        return carry2

                return carry
            lax.fori_loop(0, half // 2, outer, 0)
        plsc.subcore_barrier()

        pltpu.sync_copy(acc_sh.at[pl.ds(row0, ROWS_PER_TILE)],
                        out_hbm.at[pl.ds(c * N_PAD + row0, ROWS_PER_TILE)])

    return k(h, src3, dst3, ew3)


def _tc_pre(x, W1t, b1):
    B = 1000

    def body(x_ref, w1_ref, b1_ref, o_ref):
        h = jnp.dot(x_ref[...], w1_ref[...],
                    preferred_element_type=jnp.float32) + b1_ref[...]
        o_ref[...] = jnp.maximum(h, 0.0)

    return pl.pallas_call(
        body,
        grid=(N // B,),
        in_specs=[
            pl.BlockSpec((B, D), lambda i: (i, 0)),
            pl.BlockSpec((D, D), lambda i: (0, 0)),
            pl.BlockSpec((1, D), lambda i: (0, 0)),
        ],
        out_specs=pl.BlockSpec((B, D), lambda i: (i, 0)),
        out_shape=jax.ShapeDtypeStruct((N, D), jnp.float32),
    )(x, W1t, b1.reshape(1, D))


def _tc_post(p0, p1, W2t, b2):
    B = 1000

    def body(p0_ref, p1_ref, w2_ref, b2_ref, o_ref):
        agg = p0_ref[...] + p1_ref[...]
        g = jnp.dot(agg, w2_ref[...],
                    preferred_element_type=jnp.float32) + b2_ref[...]
        o = jnp.dot(g, w2_ref[...],
                    preferred_element_type=jnp.float32) + b2_ref[...]
        m = jnp.max(o, axis=1, keepdims=True)
        e = jnp.exp(o - m)
        o_ref[...] = e / jnp.sum(e, axis=1, keepdims=True)

    return pl.pallas_call(
        body,
        grid=(N // B,),
        in_specs=[
            pl.BlockSpec((B, D), lambda i: (i, 0)),
            pl.BlockSpec((B, D), lambda i: (i, 0)),
            pl.BlockSpec((D, D), lambda i: (0, 0)),
            pl.BlockSpec((1, D), lambda i: (0, 0)),
        ],
        out_specs=pl.BlockSpec((B, D), lambda i: (i, 0)),
        out_shape=jax.ShapeDtypeStruct((N, D), jnp.float32),
    )(p0, p1, W2t, b2.reshape(1, D))


def kernel(x, edge_index, edge_weight, W1, b1, W2, b2):
    E = edge_weight.shape[0]
    per_tile = -(-E // NW)
    n_chunks = -(-per_tile // CHUNK)
    n_chunks = -(-n_chunks // 4) * 4
    e_pad = NW * n_chunks * CHUNK
    pad = e_pad - E

    src = jnp.concatenate([edge_index[1], jnp.zeros((pad,), jnp.int32)])
    dst = jnp.concatenate([edge_index[0], jnp.zeros((pad,), jnp.int32)])
    ew = jnp.concatenate([edge_weight, jnp.zeros((pad,), jnp.float32)])
    src3 = src.reshape(NW, n_chunks, CHUNK)
    dst3 = dst.reshape(NW, n_chunks, CHUNK)
    ew3 = ew.reshape(NW, n_chunks, CHUNK)

    h = _tc_pre(x, W1.T, b1)
    partial = _sc_aggregate(h, src3, dst3, ew3, n_chunks)
    return _tc_post(partial[:N], partial[N_PAD:N_PAD + N], W2.T, b2)

# --- scband reference (transcript-rebuilt; emitter-appended) ---
"""Pipeline reference for scband-stellar-32057635897573 (READ-ONLY COPY).

The authoritative reference and input builder live on the scoring server;
editing this copy changes nothing except your own understanding.
"""

import jax, jax.numpy as jnp
import numpy as np

N = 10000
E = 320000
D_IN = 128
D_H = 128
D_OUT = 128


def setup_inputs(seed: int = 0) -> dict:
    key = jax.random.key(seed)
    ks = jax.random.split(key, 8)
    x = jax.random.normal(ks[0], (N, D_IN), dtype=jnp.float32)
    edge_index = jax.random.randint(ks[1], (2, E), 0, N, dtype=jnp.int32)
    edge_weight = jax.random.uniform(ks[2], (E,), dtype=jnp.float32)
    # fc1: Linear(input_dim, hidden_dim)
    W1 = jax.random.normal(ks[3], (D_H, D_IN), dtype=jnp.float32) * (1.0 / np.sqrt(D_IN))
    b1 = jnp.zeros((D_H,), dtype=jnp.float32)
    # fc2: Linear(hidden_dim, output_dim) -- applied twice in forward (as in original code)
    W2 = jax.random.normal(ks[4], (D_OUT, D_H), dtype=jnp.float32) * (1.0 / np.sqrt(D_H))
    b2 = jnp.zeros((D_OUT,), dtype=jnp.float32)
    return {"x": x, "edge_index": edge_index, "edge_weight": edge_weight,
            "W1": W1, "b1": b1, "W2": W2, "b2": b2}


def reference(x, edge_index, edge_weight, W1, b1, W2, b2):
    # x = relu(fc1(x))
    h = jax.nn.relu(x @ W1.T + b1)
    # gcn_forward: out = fc2(spmm(adj, x))
    # adj as COO: row (dst) = edge_index[0], col (src) = edge_index[1]
    dst = edge_index[0]
    src = edge_index[1]
    msgs = edge_weight[:, None] * jnp.take(h, src, axis=0)
    agg = jax.ops.segment_sum(msgs, dst, num_segments=N)
    g = agg @ W2.T + b2
    # x = fc2(x)  (applied a second time, per original module)
    out = g @ W2.T + b2
    return jax.nn.softmax(out, axis=1)

if __name__ == "__main__":
    import jax
    _d = setup_inputs()
    print(jax.jit(kernel)(*tuple(_d.values())))

</pallas_src>

<mosaic_0001>
#map = affine_map<(d0, d1) -> (0, 0)>
#map1 = affine_map<(d0, d1) -> (0, 0, 0)>
module attributes {stable_mosaic.version = 14 : i64} {
  func.func @k(%arg0: i32, %arg1: i32, %arg2: memref<10000x128xf32, #tpu.memory_space<hbm>>, %arg3: memref<32x80x128xi32, #tpu.memory_space<hbm>>, %arg4: memref<32x80x128xi32, #tpu.memory_space<hbm>>, %arg5: memref<32x80x128xf32, #tpu.memory_space<hbm>>, %arg6: memref<20480x128xf32, #tpu.memory_space<hbm>>, %arg7: memref<40x128xi32, #tpu.memory_space<vmem>>, %arg8: memref<40x128xi32, #tpu.memory_space<vmem>>, %arg9: memref<40x128xf32, #tpu.memory_space<vmem>>, %arg10: memref<128x128xf32, #tpu.memory_space<vmem>>, %arg11: memref<128x128xf32, #tpu.memory_space<vmem>>, %arg12: memref<10240x128xf32, #tpu.memory_space<vmem_shared>>, %arg13: memref<!tpu.dma_semaphore, #tpu.memory_space<semaphore_mem>>, %arg14: memref<!tpu.dma_semaphore, #tpu.memory_space<semaphore_mem>>) attributes {dimension_semantics = [#tpu.dimension_semantics<core_parallel>, #tpu.dimension_semantics<subcore_parallel>], iteration_bounds = array<i64: 2, 16>, scalar_prefetch = 0 : i64, scratch_operands = 8 : i64, tpu.core_type = #tpu.core_type<sc_vector_subcore>, window_params = [{transform_indices = #map}, {transform_indices = #map1}, {transform_indices = #map1}, {transform_indices = #map1}, {transform_indices = #map}]} {
    %mul3A = arith.constant 16 : i32
    %mul3A_0 = arith.muli %arg0, %mul3A : i32
    %add3A = arith.addi %mul3A_0, %arg1 : i32
    %scan3A = arith.constant 0 : i32
    %scan3A_1 = arith.constant 0 : i32
    %scan3A_2 = arith.constant 128 : i32
    %scan3A_3 = arith.addi %scan3A_1, %scan3A_2 : i32
    %scan3A_4 = arith.constant 1 : i32
    scf.for %scan3A_47 = %scan3A_1 to %scan3A_3 step %scan3A_4  : i32 {
      %broadcast_in_dim3A = arith.constant 0.000000e+00 : f32
      %broadcast_in_dim3A_48 = vector.broadcast %broadcast_in_dim3A : f32 to vector<16xf32>
      %swap3A = arith.index_cast %scan3A_47 : i32 to index
      %swap3A_49 = arith.constant 0 : index
      %swap3A_50 = tpu.vector_load %arg10[%swap3A, %swap3A_49] {strides = array<i32>} : memref<128x128xf32, #tpu.memory_space<vmem>>, vector<1x16xf32>,
      %swap3A_51 = vector.shape_cast %swap3A_50 : vector<1x16xf32> to vector<16xf32>
      %swap3A_52 = vector.shape_cast %broadcast_in_dim3A_48 : vector<16xf32> to vector<1x16xf32>
      tpu.vector_store %arg10[%swap3A, %swap3A_49], %swap3A_52 {strides = array<i32>} : memref<128x128xf32, #tpu.memory_space<vmem>>, vector<1x16xf32>,
      %broadcast_in_dim3A_53 = arith.constant 0.000000e+00 : f32
      %broadcast_in_dim3A_54 = vector.broadcast %broadcast_in_dim3A_53 : f32 to vector<16xf32>
      %swap3A_55 = arith.index_cast %scan3A_47 : i32 to index
      %swap3A_56 = arith.constant 16 : index
      %swap3A_57 = tpu.vector_load %arg10[%swap3A_55, %swap3A_56] {strides = array<i32>} : memref<128x128xf32, #tpu.memory_space<vmem>>, vector<1x16xf32>,
      %swap3A_58 = vector.shape_cast %swap3A_57 : vector<1x16xf32> to vector<16xf32>
      %swap3A_59 = vector.shape_cast %broadcast_in_dim3A_54 : vector<16xf32> to vector<1x16xf32>
      tpu.vector_store %arg10[%swap3A_55, %swap3A_56], %swap3A_59 {strides = array<i32>} : memref<128x128xf32, #tpu.memory_space<vmem>>, vector<1x16xf32>,
      %broadcast_in_dim3A_60 = arith.constant 0.000000e+00 : f32
      %broadcast_in_dim3A_61 = vector.broadcast %broadcast_in_dim3A_60 : f32 to vector<16xf32>
      %swap3A_62 = arith.index_cast %scan3A_47 : i32 to index
      %swap3A_63 = arith.constant 32 : index
      %swap3A_64 = tpu.vector_load %arg10[%swap3A_62, %swap3A_63] {strides = array<i32>} : memref<128x128xf32, #tpu.memory_space<vmem>>, vector<1x16xf32>,
      %swap3A_65 = vector.shape_cast %swap3A_64 : vector<1x16xf32> to vector<16xf32>
      %swap3A_66 = vector.shape_cast %broadcast_in_dim3A_61 : vector<16xf32> to vector<1x16xf32>
      tpu.vector_store %arg10[%swap3A_62, %swap3A_63], %swap3A_66 {strides = array<i32>} : memref<128x128xf32, #tpu.memory_space<vmem>>, vector<1x16xf32>,
      %broadcast_in_dim3A_67 = arith.constant 0.000000e+00 : f32
      %broadcast_in_dim3A_68 = vector.broadcast %broadcast_in_dim3A_67 : f32 to vector<16xf32>
      %swap3A_69 = arith.index_cast %scan3A_47 : i32 to index
      %swap3A_70 = arith.constant 48 : index
      %swap3A_71 = tpu.vector_load %arg10[%swap3A_69, %swap3A_70] {strides = array<i32>} : memref<128x128xf32, #tpu.memory_space<vmem>>, vector<1x16xf32>,
      %swap3A_72 = vector.shape_cast %swap3A_71 : vector<1x16xf32> to vector<16xf32>
      %swap3A_73 = vector.shape_cast %broadcast_in_dim3A_68 : vector<16xf32> to vector<1x16xf32>
      tpu.vector_store %arg10[%swap3A_69, %swap3A_70], %swap3A_73 {strides = array<i32>} : memref<128x128xf32, #tpu.memory_space<vmem>>, vector<1x16xf32>,
      %broadcast_in_dim3A_74 = arith.constant 0.000000e+00 : f32
      %broadcast_in_dim3A_75 = vector.broadcast %broadcast_in_dim3A_74 : f32 to vector<16xf32>
      %swap3A_76 = arith.index_cast %scan3A_47 : i32 to index
      %swap3A_77 = arith.constant 64 : index
      %swap3A_78 = tpu.vector_load %arg10[%swap3A_76, %swap3A_77] {strides = array<i32>} : memref<128x128xf32, #tpu.memory_space<vmem>>, vector<1x16xf32>,
      %swap3A_79 = vector.shape_cast %swap3A_78 : vector<1x16xf32> to vector<16xf32>
      %swap3A_80 = vector.shape_cast %broadcast_in_dim3A_75 : vector<16xf32> to vector<1x16xf32>
      tpu.vector_store %arg10[%swap3A_76, %swap3A_77], %swap3A_80 {strides = array<i32>} : memref<128x128xf32, #tpu.memory_space<vmem>>, vector<1x16xf32>,
      %broadcast_in_dim3A_81 = arith.constant 0.000000e+00 : f32
      %broadcast_in_dim3A_82 = vector.broadcast %broadcast_in_dim3A_81 : f32 to vector<16xf32>
      %swap3A_83 = arith.index_cast %scan3A_47 : i32 to index
      %swap3A_84 = arith.constant 80 : index
      %swap3A_85 = tpu.vector_load %arg10[%swap3A_83, %swap3A_84] {strides = array<i32>} : memref<128x128xf32, #tpu.memory_space<vmem>>, vector<1x16xf32>,
      %swap3A_86 = vector.shape_cast %swap3A_85 : vector<1x16xf32> to vector<16xf32>
      %swap3A_87 = vector.shape_cast %broadcast_in_dim3A_82 : vector<16xf32> to vector<1x16xf32>
      tpu.vector_store %arg10[%swap3A_83, %swap3A_84], %swap3A_87 {strides = array<i32>} : memref<128x128xf32, #tpu.memory_space<vmem>>, vector<1x16xf32>,
      %broadcast_in_dim3A_88 = arith.constant 0.000000e+00 : f32
      %broadcast_in_dim3A_89 = vector.broadcast %broadcast_in_dim3A_88 : f32 to vector<16xf32>
      %swap3A_90 = arith.index_cast %scan3A_47 : i32 to index
      %swap3A_91 = arith.constant 96 : index
      %swap3A_92 = tpu.vector_load %arg10[%swap3A_90, %swap3A_91] {strides = array<i32>} : memref<128x128xf32, #tpu.memory_space<vmem>>, vector<1x16xf32>,
      %swap3A_93 = vector.shape_cast %swap3A_92 : vector<1x16xf32> to vector<16xf32>
      %swap3A_94 = vector.shape_cast %broadcast_in_dim3A_89 : vector<16xf32> to vector<1x16xf32>
      tpu.vector_store %arg10[%swap3A_90, %swap3A_91], %swap3A_94 {strides = array<i32>} : memref<128x128xf32, #tpu.memory_space<vmem>>, vector<1x16xf32>,
      %broadcast_in_dim3A_95 = arith.constant 0.000000e+00 : f32
      %broadcast_in_dim3A_96 = vector.broadcast %broadcast_in_dim3A_95 : f32 to vector<16xf32>
      %swap3A_97 = arith.index_cast %scan3A_47 : i32 to index
      %swap3A_98 = arith.constant 112 : index
      %swap3A_99 = tpu.vector_load %arg10[%swap3A_97, %swap3A_98] {strides = array<i32>} : memref<128x128xf32, #tpu.memory_space<vmem>>, vector<1x16xf32>,
      %swap3A_100 = vector.shape_cast %swap3A_99 : vector<1x16xf32> to vector<16xf32>
      %swap3A_101 = vector.shape_cast %broadcast_in_dim3A_96 : vector<16xf32> to vector<1x16xf32>
      tpu.vector_store %arg10[%swap3A_97, %swap3A_98], %swap3A_101 {strides = array<i32>} : memref<128x128xf32, #tpu.memory_space<vmem>>, vector<1x16xf32>,
    }
    %scan3A_5 = arith.constant 128 : i32
    %mul3A_6 = arith.constant 640 : i32
    %mul3A_7 = arith.muli %arg1, %mul3A_6 : i32
    %add3A_8 = arith.constant 0 : i32
    %add3A_9 = arith.addi %mul3A_7, %add3A_8 : i32
    "tpu.region"() ({
      %run_scoped3A = tpu.sem_alloc : memref<!tpu.dma_semaphore, #tpu.memory_space<semaphore_mem>>
      %dma_start3A_47 = arith.constant 0 : i32
      %dma_start3A_48 = tpu.memref_slice %arg12[%add3A_9, %dma_start3A_47] : memref<10240x128xf32, #tpu.memory_space<vmem_shared>> -> memref<128x128xf32, #tpu.memory_space<vmem_shared>>
      %dma_start3A_49 = arith.constant 0 : i32
      %dma_start3A_50 = tpu.memref_slice %arg12[%add3A_9, %dma_start3A_49] : memref<10240x128xf32, #tpu.memory_space<vmem_shared>> -> memref<128x128xf32, #tpu.memory_space<vmem_shared>>
      tpu.enqueue_dma source(%arg10 : memref<128x128xf32, #tpu.memory_space<vmem>>) target(%dma_start3A_50 : memref<128x128xf32, #tpu.memory_space<vmem_shared>>) target_semaphore(%run_scoped3A : memref<!tpu.dma_semaphore, #tpu.memory_space<semaphore_mem>>)
      %dma_wait3A = arith.constant 0 : i32
      %dma_wait3A_51 = tpu.memref_slice %arg12[%add3A_9, %dma_wait3A] : memref<10240x128xf32, #tpu.memory_space<vmem_shared>> -> memref<128x128xf32, #tpu.memory_space<vmem_shared>>
      %dma_wait3A_52 = arith.constant 0 : i32
      %dma_wait3A_53 = tpu.memref_slice %arg12[%add3A_9, %dma_wait3A_52] : memref<10240x128xf32, #tpu.memory_space<vmem_shared>> -> memref<128x128xf32, #tpu.memory_space<vmem_shared>>
      tpu.wait_dma2 semaphore(%run_scoped3A : memref<!tpu.dma_semaphore, #tpu.memory_space<semaphore_mem>>) src(%arg10 : memref<128x128xf32, #tpu.memory_space<vmem>>) dst(%dma_wait3A_53 : memref<128x128xf32, #tpu.memory_space<vmem_shared>>)
      tpu.yield
    }) : () -> ()
    %add3A_10 = arith.constant 128 : i32
    %add3A_11 = arith.addi %mul3A_7, %add3A_10 : i32
    "tpu.region"() ({
      %run_scoped3A = tpu.sem_alloc : memref<!tpu.dma_semaphore, #tpu.memory_space<semaphore_mem>>
      %dma_start3A_47 = arith.constant 0 : i32
      %dma_start3A_48 = tpu.memref_slice %arg12[%add3A_11, %dma_start3A_47] : memref<10240x128xf32, #tpu.memory_space<vmem_shared>> -> memref<128x128xf32, #tpu.memory_space<vmem_shared>>
      %dma_start3A_49 = arith.constant 0 : i32
      %dma_start3A_50 = tpu.memref_slice %arg12[%add3A_11, %dma_start3A_49] : memref<10240x128xf32, #tpu.memory_space<vmem_shared>> -> memref<128x128xf32, #tpu.memory_space<vmem_shared>>
      tpu.enqueue_dma source(%arg10 : memref<128x128xf32, #tpu.memory_space<vmem>>) target(%dma_start3A_50 : memref<128x128xf32, #tpu.memory_space<vmem_shared>>) target_semaphore(%run_scoped3A : memref<!tpu.dma_semaphore, #tpu.memory_space<semaphore_mem>>)
      %dma_wait3A = arith.constant 0 : i32
      %dma_wait3A_51 = tpu.memref_slice %arg12[%add3A_11, %dma_wait3A] : memref<10240x128xf32, #tpu.memory_space<vmem_shared>> -> memref<128x128xf32, #tpu.memory_space<vmem_shared>>
      %dma_wait3A_52 = arith.constant 0 : i32
      %dma_wait3A_53 = tpu.memref_slice %arg12[%add3A_11, %dma_wait3A_52] : memref<10240x128xf32, #tpu.memory_space<vmem_shared>> -> memref<128x128xf32, #tpu.memory_space<vmem_shared>>
      tpu.wait_dma2 semaphore(%run_scoped3A : memref<!tpu.dma_semaphore, #tpu.memory_space<semaphore_mem>>) src(%arg10 : memref<128x128xf32, #tpu.memory_space<vmem>>) dst(%dma_wait3A_53 : memref<128x128xf32, #tpu.memory_space<vmem_shared>>)
      tpu.yield
    }) : () -> ()
    %add3A_12 = arith.constant 256 : i32
    %add3A_13 = arith.addi %mul3A_7, %add3A_12 : i32
    "tpu.region"() ({
      %run_scoped3A = tpu.sem_alloc : memref<!tpu.dma_semaphore, #tpu.memory_space<semaphore_mem>>
      %dma_start3A_47 = arith.constant 0 : i32
      %dma_start3A_48 = tpu.memref_slice %arg12[%add3A_13, %dma_start3A_47] : memref<10240x128xf32, #tpu.memory_space<vmem_shared>> -> memref<128x128xf32, #tpu.memory_space<vmem_shared>>
      %dma_start3A_49 = arith.constant 0 : i32
      %dma_start3A_50 = tpu.memref_slice %arg12[%add3A_13, %dma_start3A_49] : memref<10240x128xf32, #tpu.memory_space<vmem_shared>> -> memref<128x128xf32, #tpu.memory_space<vmem_shared>>
      tpu.enqueue_dma source(%arg10 : memref<128x128xf32, #tpu.memory_space<vmem>>) target(%dma_start3A_50 : memref<128x128xf32, #tpu.memory_space<vmem_shared>>) target_semaphore(%run_scoped3A : memref<!tpu.dma_semaphore, #tpu.memory_space<semaphore_mem>>)
      %dma_wait3A = arith.constant 0 : i32
      %dma_wait3A_51 = tpu.memref_slice %arg12[%add3A_13, %dma_wait3A] : memref<10240x128xf32, #tpu.memory_space<vmem_shared>> -> memref<128x128xf32, #tpu.memory_space<vmem_shared>>
      %dma_wait3A_52 = arith.constant 0 : i32
      %dma_wait3A_53 = tpu.memref_slice %arg12[%add3A_13, %dma_wait3A_52] : memref<10240x128xf32, #tpu.memory_space<vmem_shared>> -> memref<128x128xf32, #tpu.memory_space<vmem_shared>>
      tpu.wait_dma2 semaphore(%run_scoped3A : memref<!tpu.dma_semaphore, #tpu.memory_space<semaphore_mem>>) src(%arg10 : memref<128x128xf32, #tpu.memory_space<vmem>>) dst(%dma_wait3A_53 : memref<128x128xf32, #tpu.memory_space<vmem_shared>>)
      tpu.yield
    }) : () -> ()
    %add3A_14 = arith.constant 384 : i32
    %add3A_15 = arith.addi %mul3A_7, %add3A_14 : i32
    "tpu.region"() ({
      %run_scoped3A = tpu.sem_alloc : memref<!tpu.dma_semaphore, #tpu.memory_space<semaphore_mem>>
      %dma_start3A_47 = arith.constant 0 : i32
      %dma_start3A_48 = tpu.memref_slice %arg12[%add3A_15, %dma_start3A_47] : memref<10240x128xf32, #tpu.memory_space<vmem_shared>> -> memref<128x128xf32, #tpu.memory_space<vmem_shared>>
      %dma_start3A_49 = arith.constant 0 : i32
      %dma_start3A_50 = tpu.memref_slice %arg12[%add3A_15, %dma_start3A_49] : memref<10240x128xf32, #tpu.memory_space<vmem_shared>> -> memref<128x128xf32, #tpu.memory_space<vmem_shared>>
      tpu.enqueue_dma source(%arg10 : memref<128x128xf32, #tpu.memory_space<vmem>>) target(%dma_start3A_50 : memref<128x128xf32, #tpu.memory_space<vmem_shared>>) target_semaphore(%run_scoped3A : memref<!tpu.dma_semaphore, #tpu.memory_space<semaphore_mem>>)
      %dma_wait3A = arith.constant 0 : i32
      %dma_wait3A_51 = tpu.memref_slice %arg12[%add3A_15, %dma_wait3A] : memref<10240x128xf32, #tpu.memory_space<vmem_shared>> -> memref<128x128xf32, #tpu.memory_space<vmem_shared>>
      %dma_wait3A_52 = arith.constant 0 : i32
      %dma_wait3A_53 = tpu.memref_slice %arg12[%add3A_15, %dma_wait3A_52] : memref<10240x128xf32, #tpu.memory_space<vmem_shared>> -> memref<128x128xf32, #tpu.memory_space<vmem_shared>>
      tpu.wait_dma2 semaphore(%run_scoped3A : memref<!tpu.dma_semaphore, #tpu.memory_space<semaphore_mem>>) src(%arg10 : memref<128x128xf32, #tpu.memory_space<vmem>>) dst(%dma_wait3A_53 : memref<128x128xf32, #tpu.memory_space<vmem_shared>>)
      tpu.yield
    }) : () -> ()
    %add3A_16 = arith.constant 512 : i32
    %add3A_17 = arith.addi %mul3A_7, %add3A_16 : i32
    "tpu.region"() ({
      %run_scoped3A = tpu.sem_alloc : memref<!tpu.dma_semaphore, #tpu.memory_space<semaphore_mem>>
      %dma_start3A_47 = arith.constant 0 : i32
      %dma_start3A_48 = tpu.memref_slice %arg12[%add3A_17, %dma_start3A_47] : memref<10240x128xf32, #tpu.memory_space<vmem_shared>> -> memref<128x128xf32, #tpu.memory_space<vmem_shared>>
      %dma_start3A_49 = arith.constant 0 : i32
      %dma_start3A_50 = tpu.memref_slice %arg12[%add3A_17, %dma_start3A_49] : memref<10240x128xf32, #tpu.memory_space<vmem_shared>> -> memref<128x128xf32, #tpu.memory_space<vmem_shared>>
      tpu.enqueue_dma source(%arg10 : memref<128x128xf32, #tpu.memory_space<vmem>>) target(%dma_start3A_50 : memref<128x128xf32, #tpu.memory_space<vmem_shared>>) target_semaphore(%run_scoped3A : memref<!tpu.dma_semaphore, #tpu.memory_space<semaphore_mem>>)
      %dma_wait3A = arith.constant 0 : i32
      %dma_wait3A_51 = tpu.memref_slice %arg12[%add3A_17, %dma_wait3A] : memref<10240x128xf32, #tpu.memory_space<vmem_shared>> -> memref<128x128xf32, #tpu.memory_space<vmem_shared>>
      %dma_wait3A_52 = arith.constant 0 : i32
      %dma_wait3A_53 = tpu.memref_slice %arg12[%add3A_17, %dma_wait3A_52] : memref<10240x128xf32, #tpu.memory_space<vmem_shared>> -> memref<128x128xf32, #tpu.memory_space<vmem_shared>>
      tpu.wait_dma2 semaphore(%run_scoped3A : memref<!tpu.dma_semaphore, #tpu.memory_space<semaphore_mem>>) src(%arg10 : memref<128x128xf32, #tpu.memory_space<vmem>>) dst(%dma_wait3A_53 : memref<128x128xf32, #tpu.memory_space<vmem_shared>>)
      tpu.yield
    }) : () -> ()
    %barrier3A = arith.constant 0 : index
    tpu.barrier barrier_id(%barrier3A)
    "tpu.region"() ({
      %run_scoped3A = tpu.sem_alloc : memref<!tpu.dma_semaphore, #tpu.memory_space<semaphore_mem>>
      %dma_start3A_47 = arith.constant 0 : i32
      %dma_start3A_48 = arith.constant 0 : i32
      %dma_start3A_49 = tpu.memref_slice %arg3[%add3A, %dma_start3A_47, %dma_start3A_48] : memref<32x80x128xi32, #tpu.memory_space<hbm>> -> memref<1x40x128xi32, #tpu.memory_space<hbm>>
      %dma_start3A_50 = tpu.memref_squeeze %dma_start3A_49 : memref<1x40x128xi32, #tpu.memory_space<hbm>> -> memref<40x128xi32, #tpu.memory_space<hbm>>
      %dma_start3A_51 = arith.constant 0 : i32
      %dma_start3A_52 = arith.constant 0 : i32
      %dma_start3A_53 = tpu.memref_slice %arg3[%add3A, %dma_start3A_51, %dma_start3A_52] : memref<32x80x128xi32, #tpu.memory_space<hbm>> -> memref<1x40x128xi32, #tpu.memory_space<hbm>>
      %dma_start3A_54 = tpu.memref_squeeze %dma_start3A_53 : memref<1x40x128xi32, #tpu.memory_space<hbm>> -> memref<40x128xi32, #tpu.memory_space<hbm>>
      tpu.enqueue_dma source(%dma_start3A_54 : memref<40x128xi32, #tpu.memory_space<hbm>>) target(%arg7 : memref<40x128xi32, #tpu.memory_space<vmem>>) target_semaphore(%run_scoped3A : memref<!tpu.dma_semaphore, #tpu.memory_space<semaphore_mem>>)
      %dma_wait3A = arith.constant 0 : i32
      %dma_wait3A_55 = arith.constant 0 : i32
      %dma_wait3A_56 = tpu.memref_slice %arg3[%add3A, %dma_wait3A, %dma_wait3A_55] : memref<32x80x128xi32, #tpu.memory_space<hbm>> -> memref<1x40x128xi32, #tpu.memory_space<hbm>>
      %dma_wait3A_57 = tpu.memref_squeeze %dma_wait3A_56 : memref<1x40x128xi32, #tpu.memory_space<hbm>> -> memref<40x128xi32, #tpu.memory_space<hbm>>
      %dma_wait3A_58 = arith.constant 0 : i32
      %dma_wait3A_59 = arith.constant 0 : i32
      %dma_wait3A_60 = tpu.memref_slice %arg3[%add3A, %dma_wait3A_58, %dma_wait3A_59] : memref<32x80x128xi32, #tpu.memory_space<hbm>> -> memref<1x40x128xi32, #tpu.memory_space<hbm>>
      %dma_wait3A_61 = tpu.memref_squeeze %dma_wait3A_60 : memref<1x40x128xi32, #tpu.memory_space<hbm>> -> memref<40x128xi32, #tpu.memory_space<hbm>>
      tpu.wait_dma2 semaphore(%run_scoped3A : memref<!tpu.dma_semaphore, #tpu.memory_space<semaphore_mem>>) src(%dma_wait3A_61 : memref<40x128xi32, #tpu.memory_space<hbm>>) dst(%arg7 : memref<40x128xi32, #tpu.memory_space<vmem>>)
      tpu.yield
    }) : () -> ()
    "tpu.region"() ({
      %run_scoped3A = tpu.sem_alloc : memref<!tpu.dma_semaphore, #tpu.memory_space<semaphore_mem>>
      %dma_start3A_47 = arith.constant 0 : i32
      %dma_start3A_48 = arith.constant 0 : i32
      %dma_start3A_49 = tpu.memref_slice %arg4[%add3A, %dma_start3A_47, %dma_start3A_48] : memref<32x80x128xi32, #tpu.memory_space<hbm>> -> memref<1x40x128xi32, #tpu.memory_space<hbm>>
      %dma_start3A_50 = tpu.memref_squeeze %dma_start3A_49 : memref<1x40x128xi32, #tpu.memory_space<hbm>> -> memref<40x128xi32, #tpu.memory_space<hbm>>
      %dma_start3A_51 = arith.constant 0 : i32
      %dma_start3A_52 = arith.constant 0 : i32
      %dma_start3A_53 = tpu.memref_slice %arg4[%add3A, %dma_start3A_51, %dma_start3A_52] : memref<32x80x128xi32, #tpu.memory_space<hbm>> -> memref<1x40x128xi32, #tpu.memory_space<hbm>>
      %dma_start3A_54 = tpu.memref_squeeze %dma_start3A_53 : memref<1x40x128xi32, #tpu.memory_space<hbm>> -> memref<40x128xi32, #tpu.memory_space<hbm>>
      tpu.enqueue_dma source(%dma_start3A_54 : memref<40x128xi32, #tpu.memory_space<hbm>>) target(%arg8 : memref<40x128xi32, #tpu.memory_space<vmem>>) target_semaphore(%run_scoped3A : memref<!tpu.dma_semaphore, #tpu.memory_space<semaphore_mem>>)
      %dma_wait3A = arith.constant 0 : i32
      %dma_wait3A_55 = arith.constant 0 : i32
      %dma_wait3A_56 = tpu.memref_slice %arg4[%add3A, %dma_wait3A, %dma_wait3A_55] : memref<32x80x128xi32, #tpu.memory_space<hbm>> -> memref<1x40x128xi32, #tpu.memory_space<hbm>>
      %dma_wait3A_57 = tpu.memref_squeeze %dma_wait3A_56 : memref<1x40x128xi32, #tpu.memory_space<hbm>> -> memref<40x128xi32, #tpu.memory_space<hbm>>
      %dma_wait3A_58 = arith.constant 0 : i32
      %dma_wait3A_59 = arith.constant 0 : i32
      %dma_wait3A_60 = tpu.memref_slice %arg4[%add3A, %dma_wait3A_58, %dma_wait3A_59] : memref<32x80x128xi32, #tpu.memory_space<hbm>> -> memref<1x40x128xi32, #tpu.memory_space<hbm>>
      %dma_wait3A_61 = tpu.memref_squeeze %dma_wait3A_60 : memref<1x40x128xi32, #tpu.memory_space<hbm>> -> memref<40x128xi32, #tpu.memory_space<hbm>>
      tpu.wait_dma2 semaphore(%run_scoped3A : memref<!tpu.dma_semaphore, #tpu.memory_space<semaphore_mem>>) src(%dma_wait3A_61 : memref<40x128xi32, #tpu.memory_space<hbm>>) dst(%arg8 : memref<40x128xi32, #tpu.memory_space<vmem>>)
      tpu.yield
    }) : () -> ()
    "tpu.region"() ({
      %run_scoped3A = tpu.sem_alloc : memref<!tpu.dma_semaphore, #tpu.memory_space<semaphore_mem>>
      %dma_start3A_47 = arith.constant 0 : i32
      %dma_start3A_48 = arith.constant 0 : i32
      %dma_start3A_49 = tpu.memref_slice %arg5[%add3A, %dma_start3A_47, %dma_start3A_48] : memref<32x80x128xf32, #tpu.memory_space<hbm>> -> memref<1x40x128xf32, #tpu.memory_space<hbm>>
      %dma_start3A_50 = tpu.memref_squeeze %dma_start3A_49 : memref<1x40x128xf32, #tpu.memory_space<hbm>> -> memref<40x128xf32, #tpu.memory_space<hbm>>
      %dma_start3A_51 = arith.constant 0 : i32
      %dma_start3A_52 = arith.constant 0 : i32
      %dma_start3A_53 = tpu.memref_slice %arg5[%add3A, %dma_start3A_51, %dma_start3A_52] : memref<32x80x128xf32, #tpu.memory_space<hbm>> -> memref<1x40x128xf32, #tpu.memory_space<hbm>>
      %dma_start3A_54 = tpu.memref_squeeze %dma_start3A_53 : memref<1x40x128xf32, #tpu.memory_space<hbm>> -> memref<40x128xf32, #tpu.memory_space<hbm>>
      tpu.enqueue_dma source(%dma_start3A_54 : memref<40x128xf32, #tpu.memory_space<hbm>>) target(%arg9 : memref<40x128xf32, #tpu.memory_space<vmem>>) target_semaphore(%run_scoped3A : memref<!tpu.dma_semaphore, #tpu.memory_space<semaphore_mem>>)
      %dma_wait3A = arith.constant 0 : i32
      %dma_wait3A_55 = arith.constant 0 : i32
      %dma_wait3A_56 = tpu.memref_slice %arg5[%add3A, %dma_wait3A, %dma_wait3A_55] : memref<32x80x128xf32, #tpu.memory_space<hbm>> -> memref<1x40x128xf32, #tpu.memory_space<hbm>>
      %dma_wait3A_57 = tpu.memref_squeeze %dma_wait3A_56 : memref<1x40x128xf32, #tpu.memory_space<hbm>> -> memref<40x128xf32, #tpu.memory_space<hbm>>
      %dma_wait3A_58 = arith.constant 0 : i32
      %dma_wait3A_59 = arith.constant 0 : i32
      %dma_wait3A_60 = tpu.memref_slice %arg5[%add3A, %dma_wait3A_58, %dma_wait3A_59] : memref<32x80x128xf32, #tpu.memory_space<hbm>> -> memref<1x40x128xf32, #tpu.memory_space<hbm>>
      %dma_wait3A_61 = tpu.memref_squeeze %dma_wait3A_60 : memref<1x40x128xf32, #tpu.memory_space<hbm>> -> memref<40x128xf32, #tpu.memory_space<hbm>>
      tpu.wait_dma2 semaphore(%run_scoped3A : memref<!tpu.dma_semaphore, #tpu.memory_space<semaphore_mem>>) src(%dma_wait3A_61 : memref<40x128xf32, #tpu.memory_space<hbm>>) dst(%arg9 : memref<40x128xf32, #tpu.memory_space<vmem>>)
      tpu.yield
    }) : () -> ()
    %dma_start3A = arith.constant 0 : i32
    %dma_start3A_18 = arith.constant 0 : i32
    %dma_start3A_19 = tpu.memref_slice %arg7[%dma_start3A, %dma_start3A_18] : memref<40x128xi32, #tpu.memory_space<vmem>> -> memref<1x128xi32, #tpu.memory_space<vmem>>
    %dma_start3A_20 = tpu.memref_squeeze %dma_start3A_19 : memref<1x128xi32, #tpu.memory_space<vmem>> -> memref<128xi32, #tpu.memory_space<vmem>>
    %dma_start3A_21 = arith.constant 0 : i32
    %dma_start3A_22 = arith.constant 0 : i32
    %dma_start3A_23 = tpu.memref_slice %arg2[%dma_start3A_21, %dma_start3A_22] : memref<10000x128xf32, #tpu.memory_space<hbm>> -> memref<10000x128xf32, #tpu.memory_space<hbm>>
    tpu.enqueue_indirect_dma source(%dma_start3A_23 : memref<10000x128xf32, #tpu.memory_space<hbm>>) target(%arg10 : memref<128x128xf32, #tpu.memory_space<vmem>>) offsets(%dma_start3A_20 : memref<128xi32, #tpu.memory_space<vmem>>) semaphore(%arg13 : memref<!tpu.dma_semaphore, #tpu.memory_space<semaphore_mem>>)
    %scan3A_24 = arith.constant 0 : i32
    %scan3A_25 = arith.constant 0 : i32
    %scan3A_26 = arith.constant 20 : i32
    %scan3A_27 = arith.addi %scan3A_25, %scan3A_26 : i32
    %scan3A_28 = arith.constant 1 : i32
    scf.for %scan3A_47 = %scan3A_25 to %scan3A_27 step %scan3A_28  : i32 {
      %mul3A_48 = arith.constant 2 : i32
      %mul3A_49 = arith.muli %scan3A_47, %mul3A_48 : i32
      %add3A_50 = arith.constant 0 : i32
      %add3A_51 = arith.addi %mul3A_49, %add3A_50 : i32
      %add3A_52 = arith.constant 1 : i32
      %add3A_53 = arith.addi %add3A_51, %add3A_52 : i32
      %lt3A = arith.constant 40 : i32
      %lt3A_54 = arith.cmpi slt, %add3A_53, %lt3A : i32
      %convert_element_type3A = arith.extui %lt3A_54 : i1 to i32
      %cond3A = arith.constant 0 : i32
      %cond3A_55 = arith.cmpi ne, %convert_element_type3A, %cond3A : i32
      scf.if %cond3A_55 {
        %add3A_78 = arith.constant 1 : i32
        %add3A_79 = arith.addi %add3A_51, %add3A_78 : i32
        %dma_start3A_80 = arith.constant 0 : i32
        %dma_start3A_81 = tpu.memref_slice %arg7[%add3A_79, %dma_start3A_80] : memref<40x128xi32, #tpu.memory_space<vmem>> -> memref<1x128xi32, #tpu.memory_space<vmem>>
        %dma_start3A_82 = tpu.memref_squeeze %dma_start3A_81 : memref<1x128xi32, #tpu.memory_space<vmem>> -> memref<128xi32, #tpu.memory_space<vmem>>
        %dma_start3A_83 = arith.constant 0 : i32
        %dma_start3A_84 = arith.constant 0 : i32
        %dma_start3A_85 = tpu.memref_slice %arg2[%dma_start3A_83, %dma_start3A_84] : memref<10000x128xf32, #tpu.memory_space<hbm>> -> memref<10000x128xf32, #tpu.memory_space<hbm>>
        tpu.enqueue_indirect_dma source(%dma_start3A_85 : memref<10000x128xf32, #tpu.memory_space<hbm>>) target(%arg11 : memref<128x128xf32, #tpu.memory_space<vmem>>) offsets(%dma_start3A_82 : memref<128xi32, #tpu.memory_space<vmem>>) semaphore(%arg14 : memref<!tpu.dma_semaphore, #tpu.memory_space<semaphore_mem>>)
      } else {
      }
      %dma_wait3A = arith.constant 0 : i32
      %dma_wait3A_56 = tpu.memref_slice %arg7[%add3A_51, %dma_wait3A] : memref<40x128xi32, #tpu.memory_space<vmem>> -> memref<1x128xi32, #tpu.memory_space<vmem>>
      %dma_wait3A_57 = tpu.memref_squeeze %dma_wait3A_56 : memref<1x128xi32, #tpu.memory_space<vmem>> -> memref<128xi32, #tpu.memory_space<vmem>>
      %dma_wait3A_58 = arith.constant 0 : i32
      %dma_wait3A_59 = arith.constant 0 : i32
      %dma_wait3A_60 = tpu.memref_slice %arg2[%dma_wait3A_58, %dma_wait3A_59] : memref<10000x128xf32, #tpu.memory_space<hbm>> -> memref<10000x128xf32, #tpu.memory_space<hbm>>
      tpu.wait_indirect_dma semaphore(%arg13 : memref<!tpu.dma_semaphore, #tpu.memory_space<semaphore_mem>>) src(%dma_wait3A_60 : memref<10000x128xf32, #tpu.memory_space<hbm>>) dst(%arg10 : memref<128x128xf32, #tpu.memory_space<vmem>>)
      %mul3A_61 = arith.constant 2 : i32
      %mul3A_62 = arith.muli %scan3A_47, %mul3A_61 : i32
      %add3A_63 = arith.constant 1 : i32
      %add3A_64 = arith.addi %mul3A_62, %add3A_63 : i32
      %add3A_65 = arith.constant 1 : i32
      %add3A_66 = arith.addi %add3A_64, %add3A_65 : i32
      %lt3A_67 = arith.constant 40 : i32
      %lt3A_68 = arith.cmpi slt, %add3A_66, %lt3A_67 : i32
      %convert_element_type3A_69 = arith.extui %lt3A_68 : i1 to i32
      %cond3A_70 = arith.constant 0 : i32
      %cond3A_71 = arith.cmpi ne, %convert_element_type3A_69, %cond3A_70 : i32
      scf.if %cond3A_71 {
        %add3A_78 = arith.constant 1 : i32
        %add3A_79 = arith.addi %add3A_64, %add3A_78 : i32
        %dma_start3A_80 = arith.constant 0 : i32
        %dma_start3A_81 = tpu.memref_slice %arg7[%add3A_79, %dma_start3A_80] : memref<40x128xi32, #tpu.memory_space<vmem>> -> memref<1x128xi32, #tpu.memory_space<vmem>>
        %dma_start3A_82 = tpu.memref_squeeze %dma_start3A_81 : memref<1x128xi32, #tpu.memory_space<vmem>> -> memref<128xi32, #tpu.memory_space<vmem>>
        %dma_start3A_83 = arith.constant 0 : i32
        %dma_start3A_84 = arith.constant 0 : i32
        %dma_start3A_85 = tpu.memref_slice %arg2[%dma_start3A_83, %dma_start3A_84] : memref<10000x128xf32, #tpu.memory_space<hbm>> -> memref<10000x128xf32, #tpu.memory_space<hbm>>
        tpu.enqueue_indirect_dma source(%dma_start3A_85 : memref<10000x128xf32, #tpu.memory_space<hbm>>) target(%arg10 : memref<128x128xf32, #tpu.memory_space<vmem>>) offsets(%dma_start3A_82 : memref<128xi32, #tpu.memory_space<vmem>>) semaphore(%arg13 : memref<!tpu.dma_semaphore, #tpu.memory_space<semaphore_mem>>)
      } else {
      }
      %dma_wait3A_72 = arith.constant 0 : i32
      %dma_wait3A_73 = tpu.memref_slice %arg7[%add3A_64, %dma_wait3A_72] : memref<40x128xi32, #tpu.memory_space<vmem>> -> memref<1x128xi32, #tpu.memory_space<vmem>>
      %dma_wait3A_74 = tpu.memref_squeeze %dma_wait3A_73 : memref<1x128xi32, #tpu.memory_space<vmem>> -> memref<128xi32, #tpu.memory_space<vmem>>
      %dma_wait3A_75 = arith.constant 0 : i32
      %dma_wait3A_76 = arith.constant 0 : i32
      %dma_wait3A_77 = tpu.memref_slice %arg2[%dma_wait3A_75, %dma_wait3A_76] : memref<10000x128xf32, #tpu.memory_space<hbm>> -> memref<10000x128xf32, #tpu.memory_space<hbm>>
      tpu.wait_indirect_dma semaphore(%arg14 : memref<!tpu.dma_semaphore, #tpu.memory_space<semaphore_mem>>) src(%dma_wait3A_77 : memref<10000x128xf32, #tpu.memory_space<hbm>>) dst(%arg11 : memref<128x128xf32, #tpu.memory_space<vmem>>)
    }
    %scan3A_29 = arith.constant 20 : i32
    "tpu.region"() ({
      %run_scoped3A = tpu.sem_alloc : memref<!tpu.dma_semaphore, #tpu.memory_space<semaphore_mem>>
      %dma_start3A_47 = arith.constant 40 : i32
      %dma_start3A_48 = arith.constant 0 : i32
      %dma_start3A_49 = tpu.memref_slice %arg3[%add3A, %dma_start3A_47, %dma_start3A_48] : memref<32x80x128xi32, #tpu.memory_space<hbm>> -> memref<1x40x128xi32, #tpu.memory_space<hbm>>
      %dma_start3A_50 = tpu.memref_squeeze %dma_start3A_49 : memref<1x40x128xi32, #tpu.memory_space<hbm>> -> memref<40x128xi32, #tpu.memory_space<hbm>>
      %dma_start3A_51 = arith.constant 40 : i32
      %dma_start3A_52 = arith.constant 0 : i32
      %dma_start3A_53 = tpu.memref_slice %arg3[%add3A, %dma_start3A_51, %dma_start3A_52] : memref<32x80x128xi32, #tpu.memory_space<hbm>> -> memref<1x40x128xi32, #tpu.memory_space<hbm>>
      %dma_start3A_54 = tpu.memref_squeeze %dma_start3A_53 : memref<1x40x128xi32, #tpu.memory_space<hbm>> -> memref<40x128xi32, #tpu.memory_space<hbm>>
      tpu.enqueue_dma source(%dma_start3A_54 : memref<40x128xi32, #tpu.memory_space<hbm>>) target(%arg7 : memref<40x128xi32, #tpu.memory_space<vmem>>) target_semaphore(%run_scoped3A : memref<!tpu.dma_semaphore, #tpu.memory_space<semaphore_mem>>)
      %dma_wait3A = arith.constant 40 : i32
      %dma_wait3A_55 = arith.constant 0 : i32
      %dma_wait3A_56 = tpu.memref_slice %arg3[%add3A, %dma_wait3A, %dma_wait3A_55] : memref<32x80x128xi32, #tpu.memory_space<hbm>> -> memref<1x40x128xi32, #tpu.memory_space<hbm>>
      %dma_wait3A_57 = tpu.memref_squeeze %dma_wait3A_56 : memref<1x40x128xi32, #tpu.memory_space<hbm>> -> memref<40x128xi32, #tpu.memory_space<hbm>>
      %dma_wait3A_58 = arith.constant 40 : i32
      %dma_wait3A_59 = arith.constant 0 : i32
      %dma_wait3A_60 = tpu.memref_slice %arg3[%add3A, %dma_wait3A_58, %dma_wait3A_59] : memref<32x80x128xi32, #tpu.memory_space<hbm>> -> memref<1x40x128xi32, #tpu.memory_space<hbm>>
      %dma_wait3A_61 = tpu.memref_squeeze %dma_wait3A_60 : memref<1x40x128xi32, #tpu.memory_space<hbm>> -> memref<40x128xi32, #tpu.memory_space<hbm>>
      tpu.wait_dma2 semaphore(%run_scoped3A : memref<!tpu.dma_semaphore, #tpu.memory_space<semaphore_mem>>) src(%dma_wait3A_61 : memref<40x128xi32, #tpu.memory_space<hbm>>) dst(%arg7 : memref<40x128xi32, #tpu.memory_space<vmem>>)
      tpu.yield
    }) : () -> ()
    "tpu.region"() ({
      %run_scoped3A = tpu.sem_alloc : memref<!tpu.dma_semaphore, #tpu.memory_space<semaphore_mem>>
      %dma_start3A_47 = arith.constant 40 : i32
      %dma_start3A_48 = arith.constant 0 : i32
      %dma_start3A_49 = tpu.memref_slice %arg4[%add3A, %dma_start3A_47, %dma_start3A_48] : memref<32x80x128xi32, #tpu.memory_space<hbm>> -> memref<1x40x128xi32, #tpu.memory_space<hbm>>
      %dma_start3A_50 = tpu.memref_squeeze %dma_start3A_49 : memref<1x40x128xi32, #tpu.memory_space<hbm>> -> memref<40x128xi32, #tpu.memory_space<hbm>>
      %dma_start3A_51 = arith.constant 40 : i32
      %dma_start3A_52 = arith.constant 0 : i32
      %dma_start3A_53 = tpu.memref_slice %arg4[%add3A, %dma_start3A_51, %dma_start3A_52] : memref<32x80x128xi32, #tpu.memory_space<hbm>> -> memref<1x40x128xi32, #tpu.memory_space<hbm>>
      %dma_start3A_54 = tpu.memref_squeeze %dma_start3A_53 : memref<1x40x128xi32, #tpu.memory_space<hbm>> -> memref<40x128xi32, #tpu.memory_space<hbm>>
      tpu.enqueue_dma source(%dma_start3A_54 : memref<40x128xi32, #tpu.memory_space<hbm>>) target(%arg8 : memref<40x128xi32, #tpu.memory_space<vmem>>) target_semaphore(%run_scoped3A : memref<!tpu.dma_semaphore, #tpu.memory_space<semaphore_mem>>)
      %dma_wait3A = arith.constant 40 : i32
      %dma_wait3A_55 = arith.constant 0 : i32
      %dma_wait3A_56 = tpu.memref_slice %arg4[%add3A, %dma_wait3A, %dma_wait3A_55] : memref<32x80x128xi32, #tpu.memory_space<hbm>> -> memref<1x40x128xi32, #tpu.memory_space<hbm>>
      %dma_wait3A_57 = tpu.memref_squeeze %dma_wait3A_56 : memref<1x40x128xi32, #tpu.memory_space<hbm>> -> memref<40x128xi32, #tpu.memory_space<hbm>>
      %dma_wait3A_58 = arith.constant 40 : i32
      %dma_wait3A_59 = arith.constant 0 : i32
      %dma_wait3A_60 = tpu.memref_slice %arg4[%add3A, %dma_wait3A_58, %dma_wait3A_59] : memref<32x80x128xi32, #tpu.memory_space<hbm>> -> memref<1x40x128xi32, #tpu.memory_space<hbm>>
      %dma_wait3A_61 = tpu.memref_squeeze %dma_wait3A_60 : memref<1x40x128xi32, #tpu.memory_space<hbm>> -> memref<40x128xi32, #tpu.memory_space<hbm>>
      tpu.wait_dma2 semaphore(%run_scoped3A : memref<!tpu.dma_semaphore, #tpu.memory_space<semaphore_mem>>) src(%dma_wait3A_61 : memref<40x128xi32, #tpu.memory_space<hbm>>) dst(%arg8 : memref<40x128xi32, #tpu.memory_space<vmem>>)
      tpu.yield
    }) : () -> ()
    "tpu.region"() ({
      %run_scoped3A = tpu.sem_alloc : memref<!tpu.dma_semaphore, #tpu.memory_space<semaphore_mem>>
      %dma_start3A_47 = arith.constant 40 : i32
      %dma_start3A_48 = arith.constant 0 : i32
      %dma_start3A_49 = tpu.memref_slice %arg5[%add3A, %dma_start3A_47, %dma_start3A_48] : memref<32x80x128xf32, #tpu.memory_space<hbm>> -> memref<1x40x128xf32, #tpu.memory_space<hbm>>
      %dma_start3A_50 = tpu.memref_squeeze %dma_start3A_49 : memref<1x40x128xf32, #tpu.memory_space<hbm>> -> memref<40x128xf32, #tpu.memory_space<hbm>>
      %dma_start3A_51 = arith.constant 40 : i32
      %dma_start3A_52 = arith.constant 0 : i32
      %dma_start3A_53 = tpu.memref_slice %arg5[%add3A, %dma_start3A_51, %dma_start3A_52] : memref<32x80x128xf32, #tpu.memory_space<hbm>> -> memref<1x40x128xf32, #tpu.memory_space<hbm>>
      %dma_start3A_54 = tpu.memref_squeeze %dma_start3A_53 : memref<1x40x128xf32, #tpu.memory_space<hbm>> -> memref<40x128xf32, #tpu.memory_space<hbm>>
      tpu.enqueue_dma source(%dma_start3A_54 : memref<40x128xf32, #tpu.memory_space<hbm>>) target(%arg9 : memref<40x128xf32, #tpu.memory_space<vmem>>) target_semaphore(%run_scoped3A : memref<!tpu.dma_semaphore, #tpu.memory_space<semaphore_mem>>)
      %dma_wait3A = arith.constant 40 : i32
      %dma_wait3A_55 = arith.constant 0 : i32
      %dma_wait3A_56 = tpu.memref_slice %arg5[%add3A, %dma_wait3A, %dma_wait3A_55] : memref<32x80x128xf32, #tpu.memory_space<hbm>> -> memref<1x40x128xf32, #tpu.memory_space<hbm>>
      %dma_wait3A_57 = tpu.memref_squeeze %dma_wait3A_56 : memref<1x40x128xf32, #tpu.memory_space<hbm>> -> memref<40x128xf32, #tpu.memory_space<hbm>>
      %dma_wait3A_58 = arith.constant 40 : i32
      %dma_wait3A_59 = arith.constant 0 : i32
      %dma_wait3A_60 = tpu.memref_slice %arg5[%add3A, %dma_wait3A_58, %dma_wait3A_59] : memref<32x80x128xf32, #tpu.memory_space<hbm>> -> memref<1x40x128xf32, #tpu.memory_space<hbm>>
      %dma_wait3A_61 = tpu.memref_squeeze %dma_wait3A_60 : memref<1x40x128xf32, #tpu.memory_space<hbm>> -> memref<40x128xf32, #tpu.memory_space<hbm>>
      tpu.wait_dma2 semaphore(%run_scoped3A : memref<!tpu.dma_semaphore, #tpu.memory_space<semaphore_mem>>) src(%dma_wait3A_61 : memref<40x128xf32, #tpu.memory_space<hbm>>) dst(%arg9 : memref<40x128xf32, #tpu.memory_space<vmem>>)
      tpu.yield
    }) : () -> ()
    %dma_start3A_30 = arith.constant 0 : i32
    %dma_start3A_31 = arith.constant 0 : i32
    %dma_start3A_32 = tpu.memref_slice %arg7[%dma_start3A_30, %dma_start3A_31] : memref<40x128xi32, #tpu.memory_space<vmem>> -> memref<1x128xi32, #tpu.memory_space<vmem>>
    %dma_start3A_33 = tpu.memref_squeeze %dma_start3A_32 : memref<1x128xi32, #tpu.memory_space<vmem>> -> memref<128xi32, #tpu.memory_space<vmem>>
    %dma_start3A_34 = arith.constant 0 : i32
    %dma_start3A_35 = arith.constant 0 : i32
    %dma_start3A_36 = tpu.memref_slice %arg2[%dma_start3A_34, %dma_start3A_35] : memref<10000x128xf32, #tpu.memory_space<hbm>> -> memref<10000x128xf32, #tpu.memory_space<hbm>>
    tpu.enqueue_indirect_dma source(%dma_start3A_36 : memref<10000x128xf32, #tpu.memory_space<hbm>>) target(%arg10 : memref<128x128xf32, #tpu.memory_space<vmem>>) offsets(%dma_start3A_33 : memref<128xi32, #tpu.memory_space<vmem>>) semaphore(%arg13 : memref<!tpu.dma_semaphore, #tpu.memory_space<semaphore_mem>>)
    %scan3A_37 = arith.constant 0 : i32
    %scan3A_38 = arith.constant 0 : i32
    %scan3A_39 = arith.constant 20 : i32
    %scan3A_40 = arith.addi %scan3A_38, %scan3A_39 : i32
    %scan3A_41 = arith.constant 1 : i32
    scf.for %scan3A_47 = %scan3A_38 to %scan3A_40 step %scan3A_41  : i32 {
      %mul3A_48 = arith.constant 2 : i32
      %mul3A_49 = arith.muli %scan3A_47, %mul3A_48 : i32
      %add3A_50 = arith.constant 0 : i32
      %add3A_51 = arith.addi %mul3A_49, %add3A_50 : i32
      %add3A_52 = arith.constant 1 : i32
      %add3A_53 = arith.addi %add3A_51, %add3A_52 : i32
      %lt3A = arith.constant 40 : i32
      %lt3A_54 = arith.cmpi slt, %add3A_53, %lt3A : i32
      %convert_element_type3A = arith.extui %lt3A_54 : i1 to i32
      %cond3A = arith.constant 0 : i32
      %cond3A_55 = arith.cmpi ne, %convert_element_type3A, %cond3A : i32
      scf.if %cond3A_55 {
        %add3A_78 = arith.constant 1 : i32
        %add3A_79 = arith.addi %add3A_51, %add3A_78 : i32
        %dma_start3A_80 = arith.constant 0 : i32
        %dma_start3A_81 = tpu.memref_slice %arg7[%add3A_79, %dma_start3A_80] : memref<40x128xi32, #tpu.memory_space<vmem>> -> memref<1x128xi32, #tpu.memory_space<vmem>>
        %dma_start3A_82 = tpu.memref_squeeze %dma_start3A_81 : memref<1x128xi32, #tpu.memory_space<vmem>> -> memref<128xi32, #tpu.memory_space<vmem>>
        %dma_start3A_83 = arith.constant 0 : i32
        %dma_start3A_84 = arith.constant 0 : i32
        %dma_start3A_85 = tpu.memref_slice %arg2[%dma_start3A_83, %dma_start3A_84] : memref<10000x128xf32, #tpu.memory_space<hbm>> -> memref<10000x128xf32, #tpu.memory_space<hbm>>
        tpu.enqueue_indirect_dma source(%dma_start3A_85 : memref<10000x128xf32, #tpu.memory_space<hbm>>) target(%arg11 : memref<128x128xf32, #tpu.memory_space<vmem>>) offsets(%dma_start3A_82 : memref<128xi32, #tpu.memory_space<vmem>>) semaphore(%arg14 : memref<!tpu.dma_semaphore, #tpu.memory_space<semaphore_mem>>)
      } else {
      }
      %dma_wait3A = arith.constant 0 : i32
      %dma_wait3A_56 = tpu.memref_slice %arg7[%add3A_51, %dma_wait3A] : memref<40x128xi32, #tpu.memory_space<vmem>> -> memref<1x128xi32, #tpu.memory_space<vmem>>
      %dma_wait3A_57 = tpu.memref_squeeze %dma_wait3A_56 : memref<1x128xi32, #tpu.memory_space<vmem>> -> memref<128xi32, #tpu.memory_space<vmem>>
      %dma_wait3A_58 = arith.constant 0 : i32
      %dma_wait3A_59 = arith.constant 0 : i32
      %dma_wait3A_60 = tpu.memref_slice %arg2[%dma_wait3A_58, %dma_wait3A_59] : memref<10000x128xf32, #tpu.memory_space<hbm>> -> memref<10000x128xf32, #tpu.memory_space<hbm>>
      tpu.wait_indirect_dma semaphore(%arg13 : memref<!tpu.dma_semaphore, #tpu.memory_space<semaphore_mem>>) src(%dma_wait3A_60 : memref<10000x128xf32, #tpu.memory_space<hbm>>) dst(%arg10 : memref<128x128xf32, #tpu.memory_space<vmem>>)
      %mul3A_61 = arith.constant 2 : i32
      %mul3A_62 = arith.muli %scan3A_47, %mul3A_61 : i32
      %add3A_63 = arith.constant 1 : i32
      %add3A_64 = arith.addi %mul3A_62, %add3A_63 : i32
      %add3A_65 = arith.constant 1 : i32
      %add3A_66 = arith.addi %add3A_64, %add3A_65 : i32
      %lt3A_67 = arith.constant 40 : i32
      %lt3A_68 = arith.cmpi slt, %add3A_66, %lt3A_67 : i32
      %convert_element_type3A_69 = arith.extui %lt3A_68 : i1 to i32
      %cond3A_70 = arith.constant 0 : i32
      %cond3A_71 = arith.cmpi ne, %convert_element_type3A_69, %cond3A_70 : i32
      scf.if %cond3A_71 {
        %add3A_78 = arith.constant 1 : i32
        %add3A_79 = arith.addi %add3A_64, %add3A_78 : i32
        %dma_start3A_80 = arith.constant 0 : i32
        %dma_start3A_81 = tpu.memref_slice %arg7[%add3A_79, %dma_start3A_80] : memref<40x128xi32, #tpu.memory_space<vmem>> -> memref<1x128xi32, #tpu.memory_space<vmem>>
        %dma_start3A_82 = tpu.memref_squeeze %dma_start3A_81 : memref<1x128xi32, #tpu.memory_space<vmem>> -> memref<128xi32, #tpu.memory_space<vmem>>
        %dma_start3A_83 = arith.constant 0 : i32
        %dma_start3A_84 = arith.constant 0 : i32
        %dma_start3A_85 = tpu.memref_slice %arg2[%dma_start3A_83, %dma_start3A_84] : memref<10000x128xf32, #tpu.memory_space<hbm>> -> memref<10000x128xf32, #tpu.memory_space<hbm>>
        tpu.enqueue_indirect_dma source(%dma_start3A_85 : memref<10000x128xf32, #tpu.memory_space<hbm>>) target(%arg10 : memref<128x128xf32, #tpu.memory_space<vmem>>) offsets(%dma_start3A_82 : memref<128xi32, #tpu.memory_space<vmem>>) semaphore(%arg13 : memref<!tpu.dma_semaphore, #tpu.memory_space<semaphore_mem>>)
      } else {
      }
      %dma_wait3A_72 = arith.constant 0 : i32
      %dma_wait3A_73 = tpu.memref_slice %arg7[%add3A_64, %dma_wait3A_72] : memref<40x128xi32, #tpu.memory_space<vmem>> -> memref<1x128xi32, #tpu.memory_space<vmem>>
      %dma_wait3A_74 = tpu.memref_squeeze %dma_wait3A_73 : memref<1x128xi32, #tpu.memory_space<vmem>> -> memref<128xi32, #tpu.memory_space<vmem>>
      %dma_wait3A_75 = arith.constant 0 : i32
      %dma_wait3A_76 = arith.constant 0 : i32
      %dma_wait3A_77 = tpu.memref_slice %arg2[%dma_wait3A_75, %dma_wait3A_76] : memref<10000x128xf32, #tpu.memory_space<hbm>> -> memref<10000x128xf32, #tpu.memory_space<hbm>>
      tpu.wait_indirect_dma semaphore(%arg14 : memref<!tpu.dma_semaphore, #tpu.memory_space<semaphore_mem>>) src(%dma_wait3A_77 : memref<10000x128xf32, #tpu.memory_space<hbm>>) dst(%arg11 : memref<128x128xf32, #tpu.memory_space<vmem>>)
    }
    %scan3A_42 = arith.constant 20 : i32
    %barrier3A_43 = arith.constant 0 : index
    tpu.barrier barrier_id(%barrier3A_43)
    %mul3A_44 = arith.constant 10240 : i32
    %mul3A_45 = arith.muli %arg0, %mul3A_44 : i32
    %add3A_46 = arith.addi %mul3A_45, %mul3A_7 : i32
    "tpu.region"() ({
      %run_scoped3A = tpu.sem_alloc : memref<!tpu.dma_semaphore, #tpu.memory_space<semaphore_mem>>
      %dma_start3A_47 = arith.constant 0 : i32
      %dma_start3A_48 = tpu.memref_slice %arg6[%add3A_46, %dma_start3A_47] : memref<20480x128xf32, #tpu.memory_space<hbm>> -> memref<640x128xf32, #tpu.memory_space<hbm>>
      %dma_start3A_49 = arith.constant 0 : i32
      %dma_start3A_50 = tpu.memref_slice %arg12[%mul3A_7, %dma_start3A_49] : memref<10240x128xf32, #tpu.memory_space<vmem_shared>> -> memref<640x128xf32, #tpu.memory_space<vmem_shared>>
      tpu.enqueue_dma source(%dma_start3A_50 : memref<640x128xf32, #tpu.memory_space<vmem_shared>>) target(%dma_start3A_48 : memref<640x128xf32, #tpu.memory_space<hbm>>) target_semaphore(%run_scoped3A : memref<!tpu.dma_semaphore, #tpu.memory_space<semaphore_mem>>)
      %dma_wait3A = arith.constant 0 : i32
      %dma_wait3A_51 = tpu.memref_slice %arg6[%add3A_46, %dma_wait3A] : memref<20480x128xf32, #tpu.memory_space<hbm>> -> memref<640x128xf32, #tpu.memory_space<hbm>>
      %dma_wait3A_52 = arith.constant 0 : i32
      %dma_wait3A_53 = tpu.memref_slice %arg12[%mul3A_7, %dma_wait3A_52] : memref<10240x128xf32, #tpu.memory_space<vmem_shared>> -> memref<640x128xf32, #tpu.memory_space<vmem_shared>>
      tpu.wait_dma2 semaphore(%run_scoped3A : memref<!tpu.dma_semaphore, #tpu.memory_space<semaphore_mem>>) src(%dma_wait3A_53 : memref<640x128xf32, #tpu.memory_space<vmem_shared>>) dst(%dma_wait3A_51 : memref<640x128xf32, #tpu.memory_space<hbm>>)
      tpu.yield
    }) : () -> ()
    return
  }
}

module attributes {stable_mosaic.version = 14 : i64} {
  func.func @body(%arg0: i32, %arg1: memref<1000x128xf32, #tpu.memory_space<vmem>>, %arg2: memref<128x128xf32, #tpu.memory_space<vmem>>, %arg3: memref<1x128xf32, #tpu.memory_space<vmem>>, %arg4: memref<1000x128xf32, #tpu.memory_space<vmem>>) attributes {dimension_semantics = [#tpu.dimension_semantics<arbitrary>], iteration_bounds = array<i64: 10>, scalar_prefetch = 0 : i64, scratch_operands = 0 : i64, tpu.core_type = #tpu.core_type<tc>, window_params = [{transform_indices = @transform_0, window_bounds = array<i64: 1000, 128>}, {pipeline_mode = #tpu.pipeline_mode<synchronous>, transform_indices = @transform_1, window_bounds = array<i64: 128, 128>}, {pipeline_mode = #tpu.pipeline_mode<synchronous>, transform_indices = @transform_2, window_bounds = array<i64: 1, 128>}, {transform_indices = @transform_3, window_bounds = array<i64: 1000, 128>}]} {
    %get3A = arith.constant 0 : index
    %get3A_0 = arith.constant 0 : index
    %get3A_1 = vector.load %arg1[%get3A, %get3A_0] : memref<1000x128xf32, #tpu.memory_space<vmem>>, vector<1000x128xf32>
    %get3A_2 = arith.constant 0 : index
    %get3A_3 = arith.constant 0 : index
    %get3A_4 = vector.load %arg2[%get3A_2, %get3A_3] : memref<128x128xf32, #tpu.memory_space<vmem>>, vector<128x128xf32>
    %dot_general3A = arith.constant dense<0.000000e+00> : vector<1000x128xf32>
    %dot_general3A_5 = tpu.matmul %get3A_1, %get3A_4, %dot_general3A {dimension_numbers = #tpu.dot_dimension_numbers<[1], [0], [0], [1], [0, 0, 1, 1], [], []>, transpose_lhs_hint = false} : vector<1000x128xf32>, vector<128x128xf32>, vector<1000x128xf32> -> vector<1000x128xf32>
    %get3A_6 = arith.constant 0 : index
    %get3A_7 = arith.constant 0 : index
    %get3A_8 = vector.load %arg3[%get3A_6, %get3A_7] : memref<1x128xf32, #tpu.memory_space<vmem>>, vector<1x128xf32>
    %add3A = vector.broadcast %get3A_8 : vector<1x128xf32> to vector<1000x128xf32>
    %add3A_9 = arith.addf %dot_general3A_5, %add3A : vector<1000x128xf32>
    %max3A = arith.constant 0.000000e+00 : f32
    %max3A_10 = vector.broadcast %max3A : f32 to vector<1000x128xf32>
    %max3A_11 = arith.maximumf %add3A_9, %max3A_10 : vector<1000x128xf32>
    %swap3A = arith.constant 0 : index
    %swap3A_12 = arith.constant 0 : index
    %swap3A_13 = vector.load %arg4[%swap3A, %swap3A_12] : memref<1000x128xf32, #tpu.memory_space<vmem>>, vector<1000x128xf32>
    tpu.vector_store %arg4[%swap3A, %swap3A_12], %max3A_11 {strides = array<i32>} : memref<1000x128xf32, #tpu.memory_space<vmem>>, vector<1000x128xf32>,
    return
  }
  func.func @transform_0(%arg0: i32) -> (i32, i32) {
    %c0_i32 = arith.constant 0 : i32
    %c0_i32_0 = arith.constant 0 : i32
    return %arg0, %c0_i32 : i32, i32
  }
  func.func @transform_1(%arg0: i32) -> (i32, i32) {
    %c0_i32 = arith.constant 0 : i32
    %c0_i32_0 = arith.constant 0 : i32
    %c0_i32_1 = arith.constant 0 : i32
    return %c0_i32, %c0_i32_0 : i32, i32
  }
  func.func @transform_2(%arg0: i32) -> (i32, i32) {
    %c0_i32 = arith.constant 0 : i32
    %c0_i32_0 = arith.constant 0 : i32
    %c0_i32_1 = arith.constant 0 : i32
    return %c0_i32, %c0_i32_0 : i32, i32
  }
  func.func @transform_3(%arg0: i32) -> (i32, i32) {
    %c0_i32 = arith.constant 0 : i32
    %c0_i32_0 = arith.constant 0 : i32
    return %arg0, %c0_i32 : i32, i32
  }
}

module attributes {stable_mosaic.version = 14 : i64} {
  func.func @body(%arg0: i32, %arg1: memref<1000x128xf32, #tpu.memory_space<vmem>>, %arg2: memref<1000x128xf32, #tpu.memory_space<vmem>>, %arg3: memref<128x128xf32, #tpu.memory_space<vmem>>, %arg4: memref<1x128xf32, #tpu.memory_space<vmem>>, %arg5: memref<1000x128xf32, #tpu.memory_space<vmem>>) attributes {dimension_semantics = [#tpu.dimension_semantics<arbitrary>], iteration_bounds = array<i64: 10>, scalar_prefetch = 0 : i64, scratch_operands = 0 : i64, tpu.core_type = #tpu.core_type<tc>, window_params = [{transform_indices = @transform_0, window_bounds = array<i64: 1000, 128>}, {transform_indices = @transform_1, window_bounds = array<i64: 1000, 128>}, {pipeline_mode = #tpu.pipeline_mode<synchronous>, transform_indices = @transform_2, window_bounds = array<i64: 128, 128>}, {pipeline_mode = #tpu.pipeline_mode<synchronous>, transform_indices = @transform_3, window_bounds = array<i64: 1, 128>}, {transform_indices = @transform_4, window_bounds = array<i64: 1000, 128>}]} {
    %get3A = arith.constant 0 : index
    %get3A_0 = arith.constant 0 : index
    %get3A_1 = vector.load %arg1[%get3A, %get3A_0] : memref<1000x128xf32, #tpu.memory_space<vmem>>, vector<1000x128xf32>
    %get3A_2 = arith.constant 0 : index
    %get3A_3 = arith.constant 0 : index
    %get3A_4 = vector.load %arg2[%get3A_2, %get3A_3] : memref<1000x128xf32, #tpu.memory_space<vmem>>, vector<1000x128xf32>
    %add3A = arith.addf %get3A_1, %get3A_4 : vector<1000x128xf32>
    %get3A_5 = arith.constant 0 : index
    %get3A_6 = arith.constant 0 : index
    %get3A_7 = vector.load %arg3[%get3A_5, %get3A_6] : memref<128x128xf32, #tpu.memory_space<vmem>>, vector<128x128xf32>
    %dot_general3A = arith.constant dense<0.000000e+00> : vector<1000x128xf32>
    %dot_general3A_8 = tpu.matmul %add3A, %get3A_7, %dot_general3A {dimension_numbers = #tpu.dot_dimension_numbers<[1], [0], [0], [1], [0, 0, 1, 1], [], []>, transpose_lhs_hint = false} : vector<1000x128xf32>, vector<128x128xf32>, vector<1000x128xf32> -> vector<1000x128xf32>
    %get3A_9 = arith.constant 0 : index
    %get3A_10 = arith.constant 0 : index
    %get3A_11 = vector.load %arg4[%get3A_9, %get3A_10] : memref<1x128xf32, #tpu.memory_space<vmem>>, vector<1x128xf32>
    %add3A_12 = vector.broadcast %get3A_11 : vector<1x128xf32> to vector<1000x128xf32>
    %add3A_13 = arith.addf %dot_general3A_8, %add3A_12 : vector<1000x128xf32>
    %get3A_14 = arith.constant 0 : index
    %get3A_15 = arith.constant 0 : index
    %get3A_16 = vector.load %arg3[%get3A_14, %get3A_15] : memref<128x128xf32, #tpu.memory_space<vmem>>, vector<128x128xf32>
    %dot_general3A_17 = arith.constant dense<0.000000e+00> : vector<1000x128xf32>
    %dot_general3A_18 = tpu.matmul %add3A_13, %get3A_16, %dot_general3A_17 {dimension_numbers = #tpu.dot_dimension_numbers<[1], [0], [0], [1], [0, 0, 1, 1], [], []>, transpose_lhs_hint = false} : vector<1000x128xf32>, vector<128x128xf32>, vector<1000x128xf32> -> vector<1000x128xf32>
    %get3A_19 = arith.constant 0 : index
    %get3A_20 = arith.constant 0 : index
    %get3A_21 = vector.load %arg4[%get3A_19, %get3A_20] : memref<1x128xf32, #tpu.memory_space<vmem>>, vector<1x128xf32>
    %add3A_22 = vector.broadcast %get3A_21 : vector<1x128xf32> to vector<1000x128xf32>
    %add3A_23 = arith.addf %dot_general3A_18, %add3A_22 : vector<1000x128xf32>
    %reduce_max3A = arith.constant dense<0xFF800000> : vector<1000xf32>
    %reduce_max3A_24 = vector.multi_reduction <maximumf>, %add3A_23, %reduce_max3A [1] : vector<1000x128xf32> to vector<1000xf32>
    %broadcast_in_dim3A = vector.shape_cast %reduce_max3A_24 : vector<1000xf32> to vector<1000x1xf32>
    %sub3A = vector.broadcast %broadcast_in_dim3A : vector<1000x1xf32> to vector<1000x128xf32>
    %sub3A_25 = arith.subf %add3A_23, %sub3A : vector<1000x128xf32>
    %exp3A = math.exp %sub3A_25 : vector<1000x128xf32>
    %reduce_sum3A = arith.constant dense<0.000000e+00> : vector<1000xf32>
    %reduce_sum3A_26 = vector.multi_reduction <add>, %exp3A, %reduce_sum3A [1] : vector<1000x128xf32> to vector<1000xf32>
    %broadcast_in_dim3A_27 = vector.shape_cast %reduce_sum3A_26 : vector<1000xf32> to vector<1000x1xf32>
    %div3A = vector.broadcast %broadcast_in_dim3A_27 : vector<1000x1xf32> to vector<1000x128xf32>
    %div3A_28 = arith.divf %exp3A, %div3A : vector<1000x128xf32>
    %swap3A = arith.constant 0 : index
    %swap3A_29 = arith.constant 0 : index
    %swap3A_30 = vector.load %arg5[%swap3A, %swap3A_29] : memref<1000x128xf32, #tpu.memory_space<vmem>>, vector<1000x128xf32>
    tpu.vector_store %arg5[%swap3A, %swap3A_29], %div3A_28 {strides = array<i32>} : memref<1000x128xf32, #tpu.memory_space<vmem>>, vector<1000x128xf32>,
    return
  }
  func.func @transform_0(%arg0: i32) -> (i32, i32) {
    %c0_i32 = arith.constant 0 : i32
    %c0_i32_0 = arith.constant 0 : i32
    return %arg0, %c0_i32 : i32, i32
  }
  func.func @transform_1(%arg0: i32) -> (i32, i32) {
    %c0_i32 = arith.constant 0 : i32
    %c0_i32_0 = arith.constant 0 : i32
    return %arg0, %c0_i32 : i32, i32
  }
  func.func @transform_2(%arg0: i32) -> (i32, i32) {
    %c0_i32 = arith.constant 0 : i32
    %c0_i32_0 = arith.constant 0 : i32
    %c0_i32_1 = arith.constant 0 : i32
    return %c0_i32, %c0_i32_0 : i32, i32
  }
  func.func @transform_3(%arg0: i32) -> (i32, i32) {
    %c0_i32 = arith.constant 0 : i32
    %c0_i32_0 = arith.constant 0 : i32
    %c0_i32_1 = arith.constant 0 : i32
    return %c0_i32, %c0_i32_0 : i32, i32
  }
  func.func @transform_4(%arg0: i32) -> (i32, i32) {
    %c0_i32 = arith.constant 0 : i32
    %c0_i32_0 = arith.constant 0 : i32
    return %arg0, %c0_i32 : i32, i32
  }
}

</mosaic_0001>

<sc_bundles>
// kernel: kernel.5.cloned.1.call-start
scs
__scs_entry_jumppad:
0x0: {  	(pc) =	sbr.rel $0x88, $3  }
0x1: {  	(tag) =	ssettag $0x0;
	lr =	simm.s32 $0x1  }
0x2: {  	[smem:$0x3F9A] =	sst lr;
	_ =	strace $0xD0000000  }
0x3: {  	_ = 	snop  }
0x4: {  	_ = 	snop  }
0x5: {  	_ = 	snop  }
0x6: {  	_ = 	snop  }
0x7: {  	_ = 	snop  }
__scs_overlays_trampoline_lowered:
0x8: {  	[smem:$0x3FA9] =	sst s0  }
0x9: {  	[smem:$0x3FAA] =	sst s1  }
0xa: {  	[smem:$0x3FAB] =	sst s2  }
0xb: {  	[smem:$0x3FAC] =	sst s3  }
0xc: {  	[smem:$0x3FAD] =	sst s4  }
0xd: {  	[smem:$0x3FAE] =	sst s5  }
0xe: {  	[smem:$0x3FAF] =	sst s6  }
0xf: {  	[smem:$0x3FB0] =	sst s7  }
0x10: {  	[smem:$0x3FB1] =	sst s8  }
0x11: {  	[smem:$0x3FB2] =	sst s9;
	s0 =	simm.s32 @!p0 $0x0  }
0x12: {  	s1 =	sld [smem:$0x3F98];
	s0 =	simm.s32 @p0 $0x1  }
0x13: {  	[smem:$0x3FB3] =	sst s0;
	s0 =	simm.s32 @!p1 $0x0  }
0x14: {  	s2 =	sld [smem:$0x3F97];
	s0 =	simm.s32 @p1 $0x1  }
0x15: {  	[smem:$0x3FB4] =	sst s0;
	s0 =	simm.s32 @!p2 $0x0  }
0x16: {  	s3 =	sld [smem:$0x3FDB];
	s0 =	simm.s32 @p2 $0x1  }
0x17: {  	s4 =	simm.s32 $0x1BF5;
	[smem:$0x3FB6] =	sst s0  }
0x18: {  	s0 =	sld [smem:$0x3F99];
	_ =	swait.ge [sflag:s4], $0x0  }
0x19: {  	s7 =	sld [smem:$0x3F9A]  }
0x1a: {  	s8 =	sadd.s32 $0xFFFFE003, lr  }
0x1b: {  	s9 =	sadd.s32 $0xFFFFFEF7, lr;
	s5 =	simm.s32 $0xFFFFFFFF;
	p2 =	slt.u32 s8, $0xFFFFF086  }
0x1c: {  	p1 =	slt.u32 s9, $0xF7A;
	s5 =	simm.s32 @!p2 $0x0  }
0x1d: {  	s5 =	simm.s32 @p1 $0x1;
	p0 =	seq.s32 s7, s2  }
0x1e: {  	s7 =	smul.u32 @!p0 $0xF7A, s2;
	p2 =	seq.s32 @!p0 s5, $0x0  }
0x1f: {  	s9 =	smul.u32 $0xF7A, s1;
	s8 =	simm.s32 @!p0 $0x1BF5;
	p2 =	por !p2, p0  }
0x20: {  	[sflag:s8] =	ssyncset.s32 @!p0 $0xFFFFF086;
	s6 =	sadd.s32 @!p0 s3, s7;
	s7 =	simm.s32 @!p0 $0x108  }
0x21: {  	s3 =	sadd.s32 s3, s9;
	s6 =	sadd.s32 @!p0 $0x88, s6;
	s7 =	simm.s32 @p2 $0x1082  }
0x22: {  	[simem:s7], [sflag:s8] =	dma.local @!p0 [hbm:s6], $0xF7A  }
0x23: {  	s9 =	sor.u32 $0xD0000000, s2;
	s6 =	simm.s32 $0x108;
	_ =	swait.ge @!p0 [sflag:s8], $0x0  }
0x24: {  	s3 =	sadd.s32 $0x88, s3;
	s6 =	simm.s32 @!p1 $0x1082;
	[sflag:s4] =	ssyncset.s32 $0xFFFFF086  }
0x25: {  	[simem:s6], [sflag:s4] =	dma.local [hbm:s3], $0xF7A  }
0x26: {  	[smem:$0x3F9A] =	sst s1;
	(tag) =	ssettag s2;
	_ =	strace s9  }
0x27: {  	s1 =	sld [smem:$0x3FAA]  }
0x28: {  	s2 =	sld [smem:$0x3FAB]  }
0x29: {  	s4 =	sld [smem:$0x3FAD]  }
0x2a: {  	p0 =	seq.s32 s5, $0x0;
	s5 =	sld [smem:$0x3FAE]  }
0x2b: {  	s6 =	sld [smem:$0x3FAF]  }
0x2c: {  	s7 =	sld [smem:$0x3FB0]  }
0x2d: {  	s3 =	simm.s32 $0x108;
	s8 =	sld [smem:$0x3FB1]  }
0x2e: {  	s3 =	simm.s32 @!p0 $0x1082;
	s9 =	sld [smem:$0x3FB2]  }
0x2f: {  	lr =	sadd.s32 s0, s3;
	s0 =	sld [smem:$0x3FA9]  }
0x30: {  	s3 =	sld [smem:$0x3FAC]  }
0x31: {  	[smem:$0x3FB5] =	sst s10  }
0x32: {  	s10 =	sld [smem:$0x3FB3];
	_ =	sdelay $0x3  }
0x33: {  	p0 =	seq.s32 s10, $0x1;
	s10 =	sld [smem:$0x3FB5];
	_ =	sdelay $0x3  }
0x34: {  	[smem:$0x3FB5] =	sst s10  }
0x35: {  	s10 =	sld [smem:$0x3FB4];
	_ =	sdelay $0x3  }
0x36: {  	p1 =	seq.s32 s10, $0x1;
	s10 =	sld [smem:$0x3FB5];
	_ =	sdelay $0x3  }
0x37: {  	[smem:$0x3FB5] =	sst s10  }
0x38: {  	s10 =	sld [smem:$0x3FB6]  }
0x39: {  	_ = 	snop;
	(pc) =	sbr.ind lr, $3  }
0x3a: {  	_ = 	snop  }
0x3b: {  	_ = 	snop  }
0x3c: {  	p2 =	seq.s32 s10, $0x1;
	s10 =	sld [smem:$0x3FB5]  }
0x3d: {  	_ =	shalt  }
0x3e: {  	_ =	shalt  }
0x3f: {  	_ =	shalt  }
0x40: {  	_ =	shalt  }
0x41: {  	_ =	shalt  }
0x42: {  	_ =	shalt  }
0x43: {  	_ =	shalt  }
0x44: {  	_ =	shalt  }
0x45: {  	_ =	shalt  }
0x46: {  	_ =	shalt  }
0x47: {  	_ =	shalt  }
0x48: {  	_ =	shalt  }
0x49: {  	_ =	shalt  }
0x4a: {  	_ =	shalt  }
0x4b: {  	_ =	shalt  }
0x4c: {  	_ =	shalt  }
0x4d: {  	_ =	shalt  }
0x4e: {  	_ =	shalt  }
0x4f: {  	_ =	shalt  }
0x50: {  	_ =	shalt  }
0x51: {  	_ =	shalt  }
0x52: {  	_ =	shalt  }
0x53: {  	_ =	shalt  }
0x54: {  	_ =	shalt  }
0x55: {  	_ =	shalt  }
0x56: {  	_ =	shalt  }
0x57: {  	_ =	shalt  }
0x58: {  	_ =	shalt  }
0x59: {  	_ =	shalt  }
0x5a: {  	_ =	shalt  }
0x5b: {  	_ =	shalt  }
0x5c: {  	_ =	shalt  }
0x5d: {  	_ =	shalt  }
0x5e: {  	_ =	shalt  }
0x5f: {  	_ =	shalt  }
0x60: {  	_ =	shalt  }
0x61: {  	_ =	shalt  }
0x62: {  	_ =	shalt  }
0x63: {  	_ =	shalt  }
0x64: {  	_ =	shalt  }
0x65: {  	_ =	shalt  }
0x66: {  	_ =	shalt  }
0x67: {  	_ =	shalt  }
0x68: {  	_ =	shalt  }
0x69: {  	_ =	shalt  }
0x6a: {  	_ =	shalt  }
0x6b: {  	_ =	shalt  }
0x6c: {  	_ =	shalt  }
0x6d: {  	_ =	shalt  }
0x6e: {  	_ =	shalt  }
0x6f: {  	_ =	shalt  }
0x70: {  	_ =	shalt  }
0x71: {  	_ =	shalt  }
0x72: {  	_ =	shalt  }
0x73: {  	_ =	shalt  }
0x74: {  	_ =	shalt  }
0x75: {  	_ =	shalt  }
0x76: {  	_ =	shalt  }
0x77: {  	_ =	shalt  }
0x78: {  	_ =	shalt  }
0x79: {  	_ =	shalt  }
0x7a: {  	_ =	shalt  }
0x7b: {  	_ =	shalt  }
0x7c: {  	_ =	shalt  }
0x7d: {  	_ =	shalt  }
0x7e: {  	_ =	shalt  }
0x7f: {  	_ =	shalt  }
0x80: {  	_ =	shalt  }
0x81: {  	_ =	shalt  }
0x82: {  	_ =	shalt  }
0x83: {  	_ =	shalt  }
0x84: {  	_ =	shalt  }
0x85: {  	_ =	shalt  }
0x86: {  	_ =	shalt  }
0x87: {  	_ =	shalt  }
.Lfunc_end0:
.L_simem_size_0:
called_computation_lowered:
.L_overlay_start_0:
0x88: {  	s2 =	sld [smem:$0x3FD9]  }
0x89: {  	s3 =	sld [smem:$0x3FFE];
	_ =	sdelay $0x1  }
0x8a: {  	s1 =	srdreg.scid  }
0x8b: {  	s0 =	sand.u32 $0x1, s1  }
0x8c: {  	s17 =	sshll.u32 s0, $0xA;
	s2 =	sadd.s32 s3, s2  }
0x8d: {  	s2 =	sadd.s32 s2, s17  }
0x8e: {  	[smem:$0x3FC1] =	sst s2  }
0x8f: {  	_ = 	snop  }
0x90: {  	s2 =	sld [smem:$0x3FD0];
	(tm) =	ssettm $0x1  }
0x91: {  	s18 =	sld [smem:$0x3FFB];
	_ =	sdelay $0x3  }
0x92: {  	_ =	strace s18  }
0x93: {  	s3 =	sld [smem:$0x3FFC];
	_ =	sdelay $0x3  }
0x94: {  	_ =	strace s3  }
0x95: {  	s3 =	sld [smem:$0x3FFD];
	_ =	sdelay $0x3  }
0x96: {  	_ =	strace s3  }
0x97: {  	_ =	strace $0x8FFFFFFF  }
0x98: {  	s19 =	sld [smem:$0x3FDB];
	_ =	sdelay $0x1  }
0x99: {  	s4 =	simm.s32 $_scs_section_size  }
0x9a: {  	s5 =	simm.s32 $_size__tile_overlayer_lowered;
	s6 =	simm.s32 $_tile_overlayer_lowered  }
0x9b: {  	s22 =	simm.s32 $0x1BFF;
	s21 =	sshll.u32 s6, $0x1;
	s3 =	sadd.s32 s4, s19  }
0x9c: {  	s7 =	simm.s32 $0x0;
	s20 =	sshll.u32 s5, $0x1;
	s5 =	sadd.s32 s21, s3  }
0x9d: {  	[timem:s7], [sflag:s22] =	dma.local [hbm:s5], s20  }
0x9e: {  	_ =	swait.ge [sflag:s22], s20  }
0x9f: {  	s4 =	ssub.s32 $0x0, s20;
	[sflag:s22] =	ssyncset.done $0x0  }
0xa0: {  	[sflag:s22] =	ssyncadd.s32 s4;
	_ =	sdelay $0x1  }
0xa1: {  	s23 =	simm.s32 $0x1B8B  }
0xa2: {  	_ =	swait.ge [sflag:s23], $0x1  }
0xa3: {  	[sflag:s23] =	ssyncset.done $0x0  }
0xa4: {  	s25 =	simm.s32 $0x1B8E;
	s24 =	sld [smem:$0x3FFE];
	[sflag:s23] =	ssyncadd.s32 $0xFFFFFFFF  }
0xa5: {  	s26 =	simm.s32 $execute0_lowered;
	[smem:$0x3FD2] =	sst s25  }
0xa6: {  	s5 =	sshll.u32 s26, $0x1;
	_ =	strace $0x80000046;
	[dreg:$0x1] =	wrdreg $0xFFFFFFFF  }
0xa7: {  	s28 =	simm.s32 $_size_execute0_lowered;
	s3 =	sadd.s32 s3, s5;
	[dreg:$0x0] =	wrdreg $0x0  }
0xa8: {  	s5 =	sshll.u32 s28, $0x1;
	[dreg:$0x2] =	wrdreg s3  }
0xa9: {  	[dreg:$0x3] =	wrdreg s5  }
0xaa: {  	[dreg:$0x4] =	wrdreg $0xC0  }
0xab: {  	_ =	task [dreg:s7], $0x5FFFF  }
0xac: {  	[dreg:$0x1] =	wrdreg $0xFFFFFFFF  }
0xad: {  	[dreg:$0x0] =	wrdreg $0x60  }
0xae: {  	[dreg:$0x2] =	wrdreg s2  }
0xaf: {  	[dreg:$0x3] =	wrdreg s24  }
0xb0: {  	[dreg:$0x4] =	wrdreg $0xBC000  }
0xb1: {  	[dreg:$0x5] =	wrdreg $0x9  }
0xb2: {  	_ =	task.clear_ibuf [dreg:s7], $0x6FFFF;
	_ =	strace $0x90000046  }
0xb3: {  	s29 =	simm.s32 $0x9;
	_ =	strace $0x80000048  }
0xb4: {  	_ =	swait.ge [sflag:s29], $0x1  }
0xb5: {  	[sflag:s29] =	ssyncadd.s32 $0xFFFFFFFF  }
0xb6: {  	_ =	strace $0x90000048  }
0xb7: {  	_ =	sfence  }
0xb8: {  	s30 =	sld [smem:$0x0];
	_ =	sdelay $0x2  }
0xb9: {  	s31 =	sshll.u32 s1, $0xD;
	s1 =	sshrl.u32 s1, $0x2  }
0xba: {  	s3 =	sand.u32 $0x4000, s31;
	s1 =	sadd.s32 s1, s30  }
0xbb: {  	s0 =	sor.u32 s3, s0;
	s1 =	sshll.u32 s1, $0x11  }
0xbc: {  	s0 =	sor.u32 s1, s0  }
0xbd: {  	s0 =	sadd.s32 $0x8F2B, s0  }
0xbe: {  	[sflag:s0] =	ssyncadd.remote.s32 $0x1  }
0xbf: {  	_ =	sfence.sel $0xFFFF  }
0xc0: {  	[dreg:$0x0] =	wrdreg $0xFFFFFFFF;
	(pc) =	sbr.abs _section_cstart, $3  }
0xc1: {  	[dreg:$0x1] =	wrdreg $0xFFFFFFFF  }
0xc2: {  	_ =	task.clear_ibuf [dreg:s7], $0x2FFFF;
	_ =	strace $0x9FFFFFFF  }
0xc3: {  	(tm) =	ssettm $0x7FFFFFFF  }
tec
execute0_lowered:
.L_overlay_start_1:
0x0: {  	(tag) =	ssettag $0x1  }
0x1: {  	s1 =	rddreg [dreg:$0x0]  }
0x2: {  	s4 =	rddreg [dreg:$0x1]  }
0x3: {  	s5 =	rddreg [dreg:$0x2];
	s3 =	simm.s32 $0x0  }
0x4: {  	s6 =	srdreg.scid;
	s2 =	stileid.u32;
	s18 =	simm.s32 $0x3  }
0x5: {  	s19 =	simm.s32 $0x1400;
	s20 =	simm.s32 $0x2800;
	s21 =	simm.s32 $0x80  }
0x6: {  	s22 =	simm.s32 $0x7C00;
	s23 =	simm.s32 $0x1;
	s24 =	simm.s32 $0x2  }
0x7: {  	s25 =	simm.s32 $0x1380;
	s26 =	simm.s32 $0x0;
	[smem:$0x7FF] =	sst s3  }
0x8: {  	s6 =	sand.u32 $0x1, s6;
	s7 =	smul.u32 $0x2800, s2;
	s12 =	sadd.s32 $0x1200, s4  }
0x9: {  	s13 =	sadd.s32 $0xB200, s4;
	s14 =	sadd.s32 $0x15200, s4;
	s10 =	smul.u32 $0x50000, s2  }
0xa: {  	s8 =	smul.u32 $0x28000, s6;
	s9 =	sshll.u32 s6, $0x4;
	s6 =	ssub.s32 $0x2, s6  }
0xb: {  	_ =	strace $0x80000047;
	s30 =	sor.u32 s2, s9;
	s31 =	sshrl.u32 s6, $0x1  }
0xc: {  	s10 =	sshrl.u32 s10, $0x2;
	s7 =	sadd.s32 s7, s8;
	s8 =	smul.u32 $0x2800, s30  }
0xd: {  	s16 =	ssub.s32 s6, s31;
	s15 =	sadd.s32 s7, s4;
	s4 =	sadd.s32 s10, s5  }
0xe: {  	s16 =	smax.u32 s16, $0x1;
	s5 =	sadd.s32 $0x4000, s4;
	s17 =	sshrl.u32 s8, $0x3  }
0xf: {  	s6 =	sadd.s32 $0x8000, s4;
	s7 =	sadd.s32 $0xC000, s4;
	s9 =	sadd.s32 s12, s17  }
0x10: {  	s10 =	sadd.s32 s13, s17;
	s11 =	sadd.s32 s14, s17;
	s17 =	sadd.s32 $0x280, s17  }
0x11: {  	s8 =	sadd.s32 $0x10000, s4;
	s15 =	sadd.s32 $0x1F200, s15;
	s12 =	sadd.s32 s12, s17  }
0x12: {  	v0 =	vimm.f32 $0.0e+00;
	s13 =	sadd.s32 s13, s17;
	s14 =	sadd.s32 s14, s17;
	s17 =	simm.s32 $0x3C00  }
.LBB2_1:
0x13: {  	s28 =	simm.s32 $0x0;
	s29 =	simm.s32 $0x200  }
.LBB2_2:
0x14: {  	p0 =	sne.s32 s29, $0xFE00;
	[tilespmem:s28+$0x3C70] =	vst v0  }
0x15: {  	[tilespmem:s28+$0x3C00] =	vst v0  }
0x16: {  	[tilespmem:s28+$0x3C10] =	vst v0  }
.Ltmp0:
0x17: {  	[tilespmem:s28+$0x3C20] =	vst v0;
	(pc) =	sbr.rel @p0 .LBB2_2-.Ltmp0, $4  }
0x18: {  	[tilespmem:s28+$0x3C30] =	vst v0  }
0x19: {  	[tilespmem:s28+$0x3C40] =	vst v0  }
0x1a: {  	[tilespmem:s28+$0x3C50] =	vst v0  }
0x1b: {  	[tilespmem:s28+$0x3C60] =	vst v0;
	s28 =	sshra.s32 s29, $0x2;
	s29 =	sadd.s32 $0x200, s29  }
0x1c: {  	[tilespmem:s28+$0x3C70] =	vst v0  }
0x1d: {  	[tilespmem:s28+$0x3C00] =	vst v0  }
0x1e: {  	[tilespmem:s28+$0x3C10] =	vst v0  }
0x1f: {  	[tilespmem:s28+$0x3C20] =	vst v0  }
0x20: {  	[tilespmem:s28+$0x3C30] =	vst v0  }
0x21: {  	[tilespmem:s28+$0x3C40] =	vst v0  }
0x22: {  	[tilespmem:s28+$0x3C50] =	vst v0  }
0x23: {  	[tilespmem:s28+$0x3C60] =	vst v0  }
0x24: {  	[spmem:s4] =	stream.linear.scatter [tilespmem:s17], [sflag:$0x3], $0x4000, $0x38;
	[tilespmem:$0x1FC00] =	vst v63  }
0x25: {  	_ =	swait.ge [sflag:s18], $0x4000  }
0x26: {  	[sflag:s18] =	ssyncset.done $0x0  }
0x27: {  	[sflag:s18] =	ssyncadd.s32 $0xFFFFC000  }
0x28: {  	[spmem:s5] =	stream.linear.scatter [tilespmem:s17], [sflag:$0x3], $0x4000, $0x38;
	[tilespmem:$0x1FC00] =	vst v63  }
0x29: {  	_ =	swait.ge [sflag:s18], $0x4000  }
0x2a: {  	[sflag:s18] =	ssyncset.done $0x0  }
0x2b: {  	[sflag:s18] =	ssyncadd.s32 $0xFFFFC000  }
0x2c: {  	[spmem:s6] =	stream.linear.scatter [tilespmem:s17], [sflag:$0x3], $0x4000, $0x38;
	[tilespmem:$0x1FC00] =	vst v63  }
0x2d: {  	_ =	swait.ge [sflag:s18], $0x4000  }
0x2e: {  	[sflag:s18] =	ssyncset.done $0x0  }
0x2f: {  	[sflag:s18] =	ssyncadd.s32 $0xFFFFC000  }
0x30: {  	[spmem:s7] =	stream.linear.scatter [tilespmem:s17], [sflag:$0x3], $0x4000, $0x38;
	[tilespmem:$0x1FC00] =	vst v63  }
0x31: {  	_ =	swait.ge [sflag:s18], $0x4000  }
0x32: {  	[sflag:s18] =	ssyncset.done $0x0  }
0x33: {  	[sflag:s18] =	ssyncadd.s32 $0xFFFFC000  }
0x34: {  	[spmem:s8] =	stream.linear.scatter [tilespmem:s17], [sflag:$0x3], $0x4000, $0x38;
	[tilespmem:$0x1FC00] =	vst v63  }
0x35: {  	_ =	swait.ge [sflag:s18], $0x4000  }
0x36: {  	[sflag:s18] =	ssyncset.done $0x0  }
0x37: {  	[sflag:s18] =	ssyncadd.s32 $0xFFFFC000  }
0x38: {  	[bflag:$0x0] =	sbarrier.arrive $0xFFFF  }
0x39: {  	[tilespmem:s3], [sflag:$0x3] =	stream.linear.gather [hbm4b:s9+s3], $0x1400, $0x38;
	[tilespmem:$0x1FC00] =	vst v63  }
0x3a: {  	_ =	swait.ge [sflag:s18], $0x1400  }
0x3b: {  	[sflag:s18] =	ssyncset.done $0x0  }
0x3c: {  	[sflag:s18] =	ssyncadd.s32 $0xFFFFEC00  }
0x3d: {  	[tilespmem:s19], [sflag:$0x3] =	stream.linear.gather [hbm4b:s10+s3], $0x1400, $0x38;
	[tilespmem:$0x1FC00] =	vst v63  }
0x3e: {  	_ =	swait.ge [sflag:s18], $0x1400  }
0x3f: {  	[sflag:s18] =	ssyncset.done $0x0  }
0x40: {  	[sflag:s18] =	ssyncadd.s32 $0xFFFFEC00  }
0x41: {  	[tilespmem:s20], [sflag:$0x3] =	stream.linear.gather [hbm4b:s11+s3], $0x1400, $0x38;
	[tilespmem:$0x1FC00] =	vst v63  }
0x42: {  	_ =	swait.ge [sflag:s18], $0x1400  }
0x43: {  	[sflag:s18] =	ssyncset.done $0x0  }
0x44: {  	[sflag:s18] =	ssyncadd.s32 $0xFFFFEC00  }
0x45: {  	[tilespmem:s17], [sflag:$0x1] =	stream.indirect.gather [hbm4b:s1+s21], $0x80, s3, s21, $0xb8;
	[tilespmem:$0x1FC00] =	vst v63  }
0x46: {  	s28 =	simm.s32 $0x80  }
0x47: {  	[tilespmem:s22], [sflag:$0x2] =	stream.indirect.gather [hbm4b:s1+s21], $0x80, s28, s21, $0xb8;
	[tilespmem:$0x1FC00] =	vst v63  }
0x48: {  	_ =	swait.ge [sflag:s23], $0x4000  }
0x49: {  	[sflag:s23] =	ssyncset.done $0x0  }
0x4a: {  	s28 =	simm.s32 $0x100;
	[sflag:s23] =	ssyncadd.s32 $0xFFFFC000  }
0x4b: {  	[tilespmem:s17], [sflag:$0x1] =	stream.indirect.gather [hbm4b:s1+s21], $0x80, s28, s21, $0xb8;
	[tilespmem:$0x1FC00] =	vst v63  }
0x4c: {  	_ =	swait.ge [sflag:s24], $0x4000  }
0x4d: {  	s29 =	simm.s32 $0xFFFFBC00;
	s28 =	simm.s32 $0xFFFFEE00;
	[sflag:s24] =	ssyncset.done $0x0  }
.LBB2_4:
0x4e: {  	s30 =	sadd.s32 $0x1380, s28  }
0x4f: {  	[sflag:s24] =	ssyncadd.s32 $0xFFFFC000;
	s31 =	smov.u32 s29;
	s0 =	sadd.s32 $0x400, s29  }
0x50: {  	[tilespmem:s22], [sflag:$0x2] =	stream.indirect.gather [hbm4b:s1+s21], $0x80, s30, s21, $0xb8;
	[tilespmem:$0x1FC00] =	vst v63  }
0x51: {  	p0 =	sne.s32 s29, $0xFFFFFC00;
	_ =	swait.ge [sflag:s23], $0x4000  }
.Ltmp1:
0x52: {  	[sflag:s23] =	ssyncset.done $0x0;
	(pc) =	sbr.rel @p0 .LBB2_4-.Ltmp1, $4  }
0x53: {  	s28 =	sadd.s32 $0x1400, s28;
	[sflag:s23] =	ssyncadd.s32 $0xFFFFC000  }
0x54: {  	[tilespmem:s17], [sflag:$0x1] =	stream.indirect.gather [hbm4b:s1+s21], $0x80, s28, s21, $0xb8;
	[tilespmem:$0x1FC00] =	vst v63  }
0x55: {  	_ =	swait.ge [sflag:s24], $0x4000  }
0x56: {  	s29 =	smov.u32 s0;
	s28 =	sshra.s32 s31, $0x2;
	[sflag:s24] =	ssyncset.done $0x0  }
0x57: {  	s0 =	sadd.s32 $0x1380, s28;
	[sflag:s24] =	ssyncadd.s32 $0xFFFFC000  }
0x58: {  	[tilespmem:s22], [sflag:$0x2] =	stream.indirect.gather [hbm4b:s1+s21], $0x80, s0, s21, $0xb8;
	[tilespmem:$0x1FC00] =	vst v63  }
0x59: {  	_ =	swait.ge [sflag:s23], $0x4000  }
0x5a: {  	[sflag:s23] =	ssyncset.done $0x0  }
0x5b: {  	s31 =	sadd.s32 $0x1400, s28;
	[sflag:s23] =	ssyncadd.s32 $0xFFFFC000  }
0x5c: {  	[tilespmem:s17], [sflag:$0x1] =	stream.indirect.gather [hbm4b:s1+s21], $0x80, s31, s21, $0xb8;
	[tilespmem:$0x1FC00] =	vst v63  }
0x5d: {  	_ =	swait.ge [sflag:s24], $0x4000  }
0x5e: {  	[sflag:s24] =	ssyncset.done $0x0  }
0x5f: {  	[sflag:s24] =	ssyncadd.s32 $0xFFFFC000  }
0x60: {  	[tilespmem:s22], [sflag:$0x2] =	stream.indirect.gather [hbm4b:s1+s21], $0x80, s25, s21, $0xb8;
	[tilespmem:$0x1FC00] =	vst v63  }
0x61: {  	_ =	swait.ge [sflag:s23], $0x4000  }
0x62: {  	[sflag:s23] =	ssyncset.done $0x0  }
0x63: {  	[sflag:s23] =	ssyncadd.s32 $0xFFFFC000  }
0x64: {  	_ =	swait.ge [sflag:s24], $0x4000  }
0x65: {  	[sflag:s24] =	ssyncset.done $0x0  }
0x66: {  	[sflag:s24] =	ssyncadd.s32 $0xFFFFC000  }
0x67: {  	[tilespmem:s3], [sflag:$0x3] =	stream.linear.gather [hbm4b:s12+s3], $0x1400, $0x38;
	[tilespmem:$0x1FC00] =	vst v63  }
0x68: {  	_ =	swait.ge [sflag:s18], $0x1400  }
0x69: {  	[sflag:s18] =	ssyncset.done $0x0  }
0x6a: {  	[sflag:s18] =	ssyncadd.s32 $0xFFFFEC00  }
0x6b: {  	[tilespmem:s19], [sflag:$0x3] =	stream.linear.gather [hbm4b:s13+s3], $0x1400, $0x38;
	[tilespmem:$0x1FC00] =	vst v63  }
0x6c: {  	_ =	swait.ge [sflag:s18], $0x1400  }
0x6d: {  	[sflag:s18] =	ssyncset.done $0x0  }
0x6e: {  	[sflag:s18] =	ssyncadd.s32 $0xFFFFEC00  }
0x6f: {  	[tilespmem:s20], [sflag:$0x3] =	stream.linear.gather [hbm4b:s14+s3], $0x1400, $0x38;
	[tilespmem:$0x1FC00] =	vst v63  }
0x70: {  	_ =	swait.ge [sflag:s18], $0x1400  }
0x71: {  	[sflag:s18] =	ssyncset.done $0x0  }
0x72: {  	[sflag:s18] =	ssyncadd.s32 $0xFFFFEC00  }
0x73: {  	[tilespmem:s17], [sflag:$0x1] =	stream.indirect.gather [hbm4b:s1+s21], $0x80, s3, s21, $0xb8;
	[tilespmem:$0x1FC00] =	vst v63  }
0x74: {  	s30 =	simm.s32 $0x80  }
0x75: {  	[tilespmem:s22], [sflag:$0x2] =	stream.indirect.gather [hbm4b:s1+s21], $0x80, s30, s21, $0xb8;
	[tilespmem:$0x1FC00] =	vst v63  }
0x76: {  	_ =	swait.ge [sflag:s23], $0x4000  }
0x77: {  	[sflag:s23] =	ssyncset.done $0x0  }
0x78: {  	s31 =	simm.s32 $0x100;
	[sflag:s23] =	ssyncadd.s32 $0xFFFFC000  }
0x79: {  	[tilespmem:s17], [sflag:$0x1] =	stream.indirect.gather [hbm4b:s1+s21], $0x80, s31, s21, $0xb8;
	[tilespmem:$0x1FC00] =	vst v63  }
0x7a: {  	_ =	swait.ge [sflag:s24], $0x4000  }
0x7b: {  	s29 =	simm.s32 $0xFFFFBC00;
	s28 =	simm.s32 $0xFFFFEE00;
	[sflag:s24] =	ssyncset.done $0x0  }
.LBB2_6:
0x7c: {  	s0 =	sadd.s32 $0x1380, s28  }
0x7d: {  	[sflag:s24] =	ssyncadd.s32 $0xFFFFC000;
	s30 =	smov.u32 s29;
	s31 =	sadd.s32 $0x400, s29  }
0x7e: {  	[tilespmem:s22], [sflag:$0x2] =	stream.indirect.gather [hbm4b:s1+s21], $0x80, s0, s21, $0xb8;
	[tilespmem:$0x1FC00] =	vst v63  }
0x7f: {  	p0 =	sne.s32 s29, $0xFFFFFC00;
	_ =	swait.ge [sflag:s23], $0x4000  }
.Ltmp2:
0x80: {  	[sflag:s23] =	ssyncset.done $0x0;
	(pc) =	sbr.rel @p0 .LBB2_6-.Ltmp2, $4  }
0x81: {  	s0 =	sadd.s32 $0x1400, s28;
	[sflag:s23] =	ssyncadd.s32 $0xFFFFC000  }
0x82: {  	[tilespmem:s17], [sflag:$0x1] =	stream.indirect.gather [hbm4b:s1+s21], $0x80, s0, s21, $0xb8;
	[tilespmem:$0x1FC00] =	vst v63  }
0x83: {  	_ =	swait.ge [sflag:s24], $0x4000  }
0x84: {  	s28 =	sshra.s32 s30, $0x2;
	s29 =	smov.u32 s31;
	[sflag:s24] =	ssyncset.done $0x0  }
0x85: {  	s0 =	sadd.s32 $0x1380, s28;
	[sflag:s24] =	ssyncadd.s32 $0xFFFFC000  }
0x86: {  	[tilespmem:s22], [sflag:$0x2] =	stream.indirect.gather [hbm4b:s1+s21], $0x80, s0, s21, $0xb8;
	[tilespmem:$0x1FC00] =	vst v63  }
0x87: {  	_ =	swait.ge [sflag:s23], $0x4000  }
0x88: {  	[sflag:s23] =	ssyncset.done $0x0  }
0x89: {  	s29 =	sadd.s32 $0x1400, s28;
	[sflag:s23] =	ssyncadd.s32 $0xFFFFC000  }
0x8a: {  	[tilespmem:s17], [sflag:$0x1] =	stream.indirect.gather [hbm4b:s1+s21], $0x80, s29, s21, $0xb8;
	[tilespmem:$0x1FC00] =	vst v63  }
0x8b: {  	_ =	swait.ge [sflag:s24], $0x4000  }
0x8c: {  	[sflag:s24] =	ssyncset.done $0x0  }
0x8d: {  	[sflag:s24] =	ssyncadd.s32 $0xFFFFC000  }
0x8e: {  	[tilespmem:s22], [sflag:$0x2] =	stream.indirect.gather [hbm4b:s1+s21], $0x80, s25, s21, $0xb8;
	[tilespmem:$0x1FC00] =	vst v63  }
0x8f: {  	_ =	swait.ge [sflag:s23], $0x4000  }
0x90: {  	[sflag:s23] =	ssyncset.done $0x0  }
0x91: {  	[sflag:s23] =	ssyncadd.s32 $0xFFFFC000  }
0x92: {  	_ =	swait.ge [sflag:s24], $0x4000  }
0x93: {  	s30 =	sshll.u32 s2, $0x6;
	s26 =	sadd.s32 $0x1, s26;
	[sflag:s24] =	ssyncset.done $0x0  }
0x94: {  	s31 =	sshrl.u32 s4, $0x3;
	p0 =	sne.s32 s26, s16;
	[sflag:s24] =	ssyncadd.s32 $0xFFFFC000  }
.Ltmp3:
0x95: {  	s0 =	sor.u32 $0x1C03, s30;
	[bflag:$0x0] =	sbarrier.arrive $0xFFFF;
	(pc) =	sbr.rel @p0 .LBB2_1-.Ltmp3, $4  }
0x96: {  	[hbm:s15], [sflag:s0] =	dma.local [spmem:s31], $0x2800  }
0x97: {  	_ =	swait.ge [sflag:s18], $0x2800  }
0x98: {  	[sflag:s18] =	ssyncset.done $0x0  }
0x99: {  	[sflag:s18] =	ssyncadd.s32 $0xFFFFD800  }
0x9a: {  	_ =	sfence.sel $0x180000  }
0x9b: {  	[bflag:$0x0] =	sbarrier.arrive $0xFFFF  }
0x9c: {  	_ =	strace $0x90000047  }
0x9d: {  	[bflag:$0x2] =	sbarrier.arrive $0xFFFF  }
0x9e: {  	p0 =	sne.s32 s2, $0x0;
	s0 =	rddreg [dreg:$0x3]  }
0x9f: {  	s0 =	sadd.s32 @!p0 $0x100000, s0  }
0xa0: {  	[sflag:s0] =	ssyncadd.tile.s32 @!p0 $0x1;
	_ =	shalt  }
.Lfunc_end2:
_tile_overlayer_lowered:
.L_overlay_start_2:
0xa1: {  	(tag) =	ssettag $0x2  }
0xa2: {  	s0 =	rddreg [dreg:$0x0];
	s2 =	stileid.u32  }
0xa3: {  	s1 =	rddreg [dreg:$0x1];
	p0 =	sne.s32 s2, $0x0  }
0xa4: {  	s3 =	rddreg [dreg:$0x2];
	[bflag:$0x3] =	sbarrier.arrive $0xFFFF;
	s2 =	simm.s32 @!p0 $0x1C03  }
0xa5: {  	[timem:s3], [sflag:s2] =	dma.local @!p0 [hbm:s0], s1  }
0xa6: {  	s0 =	simm.s32 @!p0 $0x3  }
0xa7: {  	_ =	swait.ge @!p0 [sflag:s0], s1  }
0xa8: {  	s1 =	ssub.s32 @!p0 $0x0, s1;
	[sflag:s0] =	ssyncset.done @!p0 $0x0  }
0xa9: {  	[sflag:s0] =	ssyncadd.s32 @!p0 s1  }
0xaa: {  	[bflag:$0x3] =	sbarrier.arrive $0xFFFF  }
0xab: {  	_ =	shalt  }

</sc_bundles>
